<compile_context>
chip_gen: v7x
topology: tpu7x:2x2x1
jax: 0.10.2.dev20260603
libtpu: 0.0.44.dev20260713+nightly
codegen_flags: <defaults>
</compile_context>

<pallas_src>
import functools

import jax
import jax.numpy as jnp
from jax import lax
from jax.experimental import pallas as pl
from jax.experimental.pallas import tpu as pltpu
from jax.experimental.pallas import tpu_sc as plsc

BATCH = 1024
SEQ = 200
EMBED_DIM = 64
B = BATCH * SEQ


def _make_gather():
    info = plsc.get_sparse_core_info()
    nc, ns = info.num_cores, info.num_subcores
    nw = nc * ns
    b_per_w = B // nw
    chunk = 800
    n_chunks = b_per_w // chunk
    n_buf = 2

    mesh = plsc.VectorSubcoreMesh(core_axis_name="c", subcore_axis_name="s")

    @functools.partial(
        pl.kernel,
        mesh=mesh,
        compiler_params=pltpu.CompilerParams(use_tc_tiling_on_sc=False),
        out_type=jax.ShapeDtypeStruct((B, EMBED_DIM), jnp.float32),
        scratch_types=[
            pltpu.VMEM((n_chunks, chunk), jnp.int32),
            pltpu.VMEM((n_buf, chunk, EMBED_DIM), jnp.float32),
            pltpu.SemaphoreType.DMA,
            pltpu.SemaphoreType.DMA((n_buf,)),
            pltpu.SemaphoreType.DMA((n_buf,)),
        ],
    )
    def gather_kernel(idx_hbm, table_hbm, out_hbm, idx_v, rows_v, isem, gsem, wsem):
        wid = lax.axis_index("s") * nc + lax.axis_index("c")
        base = wid * b_per_w

        idx_copies = [
            pltpu.async_copy(
                idx_hbm.at[pl.ds(base + j * chunk, chunk)], idx_v.at[j], isem
            )
            for j in range(n_chunks)
        ]
        for c in idx_copies:
            c.wait()

        gathers = [None] * n_chunks
        writes = [None] * n_chunks
        for j in range(n_chunks + 1):
            if j < n_chunks:
                buf = j % n_buf
                if j >= n_buf:
                    writes[j - n_buf].wait()
                gathers[j] = pltpu.async_copy(
                    table_hbm.at[idx_v.at[j]], rows_v.at[buf], gsem.at[buf]
                )
            if j >= 1:
                jj = j - 1
                buf = jj % n_buf
                gathers[jj].wait()
                writes[jj] = pltpu.async_copy(
                    rows_v.at[buf],
                    out_hbm.at[pl.ds(base + jj * chunk, chunk)],
                    wsem.at[buf],
                )
        for jj in range(n_chunks - n_buf, n_chunks):
            writes[jj].wait()

    return gather_kernel


_gather = _make_gather()


@jax.jit
def kernel(inp_ids, table):
    flat = inp_ids.reshape(B)
    out = _gather(flat, table)
    return out.reshape(BATCH, SEQ, EMBED_DIM)

# --- scband reference (transcript-rebuilt; emitter-appended) ---
"""Pipeline reference for scband-embedding-token-idx-tracker-20349555049106 (READ-ONLY COPY).

The authoritative reference and input builder live on the scoring server;
editing this copy changes nothing except your own understanding.
"""

import jax, jax.numpy as jnp
import numpy as np

VOCAB = 1000000
EMBED_DIM = 64
BATCH = 1024
SEQ = 200


def setup_inputs(seed: int = 0) -> dict:
    key = jax.random.key(seed)
    k1, k2 = jax.random.split(key)
    inp_ids = jax.random.randint(k1, (BATCH, SEQ), 0, VOCAB, dtype=jnp.int32)
    table = jax.random.normal(k2, (VOCAB, EMBED_DIM), dtype=jnp.float32)
    return {"inp_ids": inp_ids, "table": table}


def reference(inp_ids, table):
    # Side-effect buffer from the original module: idx_tracker[:B, :L] = inp_ids
    # Reproduced functionally (value unused by the returned output, as in the original).
    tracker = jnp.zeros((2048, 2048), dtype=jnp.int32)
    tracker = tracker.at[: inp_ids.shape[0], : inp_ids.shape[1]].set(inp_ids)
    # Embedding lookup: out[b, l, :] = table[inp_ids[b, l], :]
    out = jnp.take(table, inp_ids, axis=0)
    return out

if __name__ == "__main__":
    import jax
    _d = setup_inputs()
    print(jax.jit(kernel)(*tuple(_d.values())))

</pallas_src>

<mosaic_0001>
#map = affine_map<(d0, d1) -> (0)>
#map1 = affine_map<(d0, d1) -> (0, 0)>
module attributes {stable_mosaic.version = 14 : i64} {
  func.func @gather_kernel(%arg0: i32, %arg1: i32, %arg2: memref<204800xi32, #tpu.memory_space<hbm>>, %arg3: memref<1000000x64xf32, #tpu.memory_space<hbm>>, %arg4: memref<204800x64xf32, #tpu.memory_space<hbm>>, %arg5: memref<8x800xi32, #tpu.memory_space<vmem>>, %arg6: memref<2x800x64xf32, #tpu.memory_space<vmem>>, %arg7: memref<!tpu.dma_semaphore, #tpu.memory_space<semaphore_mem>>, %arg8: memref<2x!tpu.dma_semaphore, #tpu.memory_space<semaphore_mem>>, %arg9: memref<2x!tpu.dma_semaphore, #tpu.memory_space<semaphore_mem>>) attributes {dimension_semantics = [#tpu.dimension_semantics<core_parallel>, #tpu.dimension_semantics<subcore_parallel>], iteration_bounds = array<i64: 2, 16>, scalar_prefetch = 0 : i64, scratch_operands = 5 : i64, tpu.core_type = #tpu.core_type<sc_vector_subcore>, window_params = [{transform_indices = #map}, {transform_indices = #map1}, {transform_indices = #map1}]} {
    %mul3A = arith.constant 2 : i32
    %mul3A_0 = arith.muli %arg1, %mul3A : i32
    %add3A = arith.addi %mul3A_0, %arg0 : i32
    %mul3A_1 = arith.constant 6400 : i32
    %mul3A_2 = arith.muli %add3A, %mul3A_1 : i32
    %add3A_3 = arith.constant 0 : i32
    %add3A_4 = arith.addi %mul3A_2, %add3A_3 : i32
    %dma_start3A = arith.constant 0 : i32
    %dma_start3A_5 = arith.constant 0 : i32
    %dma_start3A_6 = tpu.memref_slice %arg5[%dma_start3A, %dma_start3A_5] : memref<8x800xi32, #tpu.memory_space<vmem>> -> memref<1x800xi32, #tpu.memory_space<vmem>>
    %dma_start3A_7 = tpu.memref_squeeze %dma_start3A_6 : memref<1x800xi32, #tpu.memory_space<vmem>> -> memref<800xi32, #tpu.memory_space<vmem>>
    %dma_start3A_8 = tpu.memref_slice %arg2[%add3A_4] : memref<204800xi32, #tpu.memory_space<hbm>> -> memref<800xi32, #tpu.memory_space<hbm>>
    %dma_start3A_9 = arith.constant 0 : i32
    %dma_start3A_10 = tpu.memref_slice %arg5[%dma_start3A, %dma_start3A_9] : memref<8x800xi32, #tpu.memory_space<vmem>> -> memref<1x800xi32, #tpu.memory_space<vmem>>
    %dma_start3A_11 = tpu.memref_squeeze %dma_start3A_10 : memref<1x800xi32, #tpu.memory_space<vmem>> -> memref<800xi32, #tpu.memory_space<vmem>>
    %dma_start3A_12 = tpu.memref_slice %arg2[%add3A_4] : memref<204800xi32, #tpu.memory_space<hbm>> -> memref<800xi32, #tpu.memory_space<hbm>>
    tpu.enqueue_dma source(%dma_start3A_12 : memref<800xi32, #tpu.memory_space<hbm>>) target(%dma_start3A_11 : memref<800xi32, #tpu.memory_space<vmem>>) target_semaphore(%arg7 : memref<!tpu.dma_semaphore, #tpu.memory_space<semaphore_mem>>)
    %add3A_13 = arith.constant 800 : i32
    %add3A_14 = arith.addi %mul3A_2, %add3A_13 : i32
    %dma_start3A_15 = arith.constant 1 : i32
    %dma_start3A_16 = arith.constant 0 : i32
    %dma_start3A_17 = tpu.memref_slice %arg5[%dma_start3A_15, %dma_start3A_16] : memref<8x800xi32, #tpu.memory_space<vmem>> -> memref<1x800xi32, #tpu.memory_space<vmem>>
    %dma_start3A_18 = tpu.memref_squeeze %dma_start3A_17 : memref<1x800xi32, #tpu.memory_space<vmem>> -> memref<800xi32, #tpu.memory_space<vmem>>
    %dma_start3A_19 = tpu.memref_slice %arg2[%add3A_14] : memref<204800xi32, #tpu.memory_space<hbm>> -> memref<800xi32, #tpu.memory_space<hbm>>
    %dma_start3A_20 = arith.constant 0 : i32
    %dma_start3A_21 = tpu.memref_slice %arg5[%dma_start3A_15, %dma_start3A_20] : memref<8x800xi32, #tpu.memory_space<vmem>> -> memref<1x800xi32, #tpu.memory_space<vmem>>
    %dma_start3A_22 = tpu.memref_squeeze %dma_start3A_21 : memref<1x800xi32, #tpu.memory_space<vmem>> -> memref<800xi32, #tpu.memory_space<vmem>>
    %dma_start3A_23 = tpu.memref_slice %arg2[%add3A_14] : memref<204800xi32, #tpu.memory_space<hbm>> -> memref<800xi32, #tpu.memory_space<hbm>>
    tpu.enqueue_dma source(%dma_start3A_23 : memref<800xi32, #tpu.memory_space<hbm>>) target(%dma_start3A_22 : memref<800xi32, #tpu.memory_space<vmem>>) target_semaphore(%arg7 : memref<!tpu.dma_semaphore, #tpu.memory_space<semaphore_mem>>)
    %add3A_24 = arith.constant 1600 : i32
    %add3A_25 = arith.addi %mul3A_2, %add3A_24 : i32
    %dma_start3A_26 = arith.constant 2 : i32
    %dma_start3A_27 = arith.constant 0 : i32
    %dma_start3A_28 = tpu.memref_slice %arg5[%dma_start3A_26, %dma_start3A_27] : memref<8x800xi32, #tpu.memory_space<vmem>> -> memref<1x800xi32, #tpu.memory_space<vmem>>
    %dma_start3A_29 = tpu.memref_squeeze %dma_start3A_28 : memref<1x800xi32, #tpu.memory_space<vmem>> -> memref<800xi32, #tpu.memory_space<vmem>>
    %dma_start3A_30 = tpu.memref_slice %arg2[%add3A_25] : memref<204800xi32, #tpu.memory_space<hbm>> -> memref<800xi32, #tpu.memory_space<hbm>>
    %dma_start3A_31 = arith.constant 0 : i32
    %dma_start3A_32 = tpu.memref_slice %arg5[%dma_start3A_26, %dma_start3A_31] : memref<8x800xi32, #tpu.memory_space<vmem>> -> memref<1x800xi32, #tpu.memory_space<vmem>>
    %dma_start3A_33 = tpu.memref_squeeze %dma_start3A_32 : memref<1x800xi32, #tpu.memory_space<vmem>> -> memref<800xi32, #tpu.memory_space<vmem>>
    %dma_start3A_34 = tpu.memref_slice %arg2[%add3A_25] : memref<204800xi32, #tpu.memory_space<hbm>> -> memref<800xi32, #tpu.memory_space<hbm>>
    tpu.enqueue_dma source(%dma_start3A_34 : memref<800xi32, #tpu.memory_space<hbm>>) target(%dma_start3A_33 : memref<800xi32, #tpu.memory_space<vmem>>) target_semaphore(%arg7 : memref<!tpu.dma_semaphore, #tpu.memory_space<semaphore_mem>>)
    %add3A_35 = arith.constant 2400 : i32
    %add3A_36 = arith.addi %mul3A_2, %add3A_35 : i32
    %dma_start3A_37 = arith.constant 3 : i32
    %dma_start3A_38 = arith.constant 0 : i32
    %dma_start3A_39 = tpu.memref_slice %arg5[%dma_start3A_37, %dma_start3A_38] : memref<8x800xi32, #tpu.memory_space<vmem>> -> memref<1x800xi32, #tpu.memory_space<vmem>>
    %dma_start3A_40 = tpu.memref_squeeze %dma_start3A_39 : memref<1x800xi32, #tpu.memory_space<vmem>> -> memref<800xi32, #tpu.memory_space<vmem>>
    %dma_start3A_41 = tpu.memref_slice %arg2[%add3A_36] : memref<204800xi32, #tpu.memory_space<hbm>> -> memref<800xi32, #tpu.memory_space<hbm>>
    %dma_start3A_42 = arith.constant 0 : i32
    %dma_start3A_43 = tpu.memref_slice %arg5[%dma_start3A_37, %dma_start3A_42] : memref<8x800xi32, #tpu.memory_space<vmem>> -> memref<1x800xi32, #tpu.memory_space<vmem>>
    %dma_start3A_44 = tpu.memref_squeeze %dma_start3A_43 : memref<1x800xi32, #tpu.memory_space<vmem>> -> memref<800xi32, #tpu.memory_space<vmem>>
    %dma_start3A_45 = tpu.memref_slice %arg2[%add3A_36] : memref<204800xi32, #tpu.memory_space<hbm>> -> memref<800xi32, #tpu.memory_space<hbm>>
    tpu.enqueue_dma source(%dma_start3A_45 : memref<800xi32, #tpu.memory_space<hbm>>) target(%dma_start3A_44 : memref<800xi32, #tpu.memory_space<vmem>>) target_semaphore(%arg7 : memref<!tpu.dma_semaphore, #tpu.memory_space<semaphore_mem>>)
    %add3A_46 = arith.constant 3200 : i32
    %add3A_47 = arith.addi %mul3A_2, %add3A_46 : i32
    %dma_start3A_48 = arith.constant 4 : i32
    %dma_start3A_49 = arith.constant 0 : i32
    %dma_start3A_50 = tpu.memref_slice %arg5[%dma_start3A_48, %dma_start3A_49] : memref<8x800xi32, #tpu.memory_space<vmem>> -> memref<1x800xi32, #tpu.memory_space<vmem>>
    %dma_start3A_51 = tpu.memref_squeeze %dma_start3A_50 : memref<1x800xi32, #tpu.memory_space<vmem>> -> memref<800xi32, #tpu.memory_space<vmem>>
    %dma_start3A_52 = tpu.memref_slice %arg2[%add3A_47] : memref<204800xi32, #tpu.memory_space<hbm>> -> memref<800xi32, #tpu.memory_space<hbm>>
    %dma_start3A_53 = arith.constant 0 : i32
    %dma_start3A_54 = tpu.memref_slice %arg5[%dma_start3A_48, %dma_start3A_53] : memref<8x800xi32, #tpu.memory_space<vmem>> -> memref<1x800xi32, #tpu.memory_space<vmem>>
    %dma_start3A_55 = tpu.memref_squeeze %dma_start3A_54 : memref<1x800xi32, #tpu.memory_space<vmem>> -> memref<800xi32, #tpu.memory_space<vmem>>
    %dma_start3A_56 = tpu.memref_slice %arg2[%add3A_47] : memref<204800xi32, #tpu.memory_space<hbm>> -> memref<800xi32, #tpu.memory_space<hbm>>
    tpu.enqueue_dma source(%dma_start3A_56 : memref<800xi32, #tpu.memory_space<hbm>>) target(%dma_start3A_55 : memref<800xi32, #tpu.memory_space<vmem>>) target_semaphore(%arg7 : memref<!tpu.dma_semaphore, #tpu.memory_space<semaphore_mem>>)
    %add3A_57 = arith.constant 4000 : i32
    %add3A_58 = arith.addi %mul3A_2, %add3A_57 : i32
    %dma_start3A_59 = arith.constant 5 : i32
    %dma_start3A_60 = arith.constant 0 : i32
    %dma_start3A_61 = tpu.memref_slice %arg5[%dma_start3A_59, %dma_start3A_60] : memref<8x800xi32, #tpu.memory_space<vmem>> -> memref<1x800xi32, #tpu.memory_space<vmem>>
    %dma_start3A_62 = tpu.memref_squeeze %dma_start3A_61 : memref<1x800xi32, #tpu.memory_space<vmem>> -> memref<800xi32, #tpu.memory_space<vmem>>
    %dma_start3A_63 = tpu.memref_slice %arg2[%add3A_58] : memref<204800xi32, #tpu.memory_space<hbm>> -> memref<800xi32, #tpu.memory_space<hbm>>
    %dma_start3A_64 = arith.constant 0 : i32
    %dma_start3A_65 = tpu.memref_slice %arg5[%dma_start3A_59, %dma_start3A_64] : memref<8x800xi32, #tpu.memory_space<vmem>> -> memref<1x800xi32, #tpu.memory_space<vmem>>
    %dma_start3A_66 = tpu.memref_squeeze %dma_start3A_65 : memref<1x800xi32, #tpu.memory_space<vmem>> -> memref<800xi32, #tpu.memory_space<vmem>>
    %dma_start3A_67 = tpu.memref_slice %arg2[%add3A_58] : memref<204800xi32, #tpu.memory_space<hbm>> -> memref<800xi32, #tpu.memory_space<hbm>>
    tpu.enqueue_dma source(%dma_start3A_67 : memref<800xi32, #tpu.memory_space<hbm>>) target(%dma_start3A_66 : memref<800xi32, #tpu.memory_space<vmem>>) target_semaphore(%arg7 : memref<!tpu.dma_semaphore, #tpu.memory_space<semaphore_mem>>)
    %add3A_68 = arith.constant 4800 : i32
    %add3A_69 = arith.addi %mul3A_2, %add3A_68 : i32
    %dma_start3A_70 = arith.constant 6 : i32
    %dma_start3A_71 = arith.constant 0 : i32
    %dma_start3A_72 = tpu.memref_slice %arg5[%dma_start3A_70, %dma_start3A_71] : memref<8x800xi32, #tpu.memory_space<vmem>> -> memref<1x800xi32, #tpu.memory_space<vmem>>
    %dma_start3A_73 = tpu.memref_squeeze %dma_start3A_72 : memref<1x800xi32, #tpu.memory_space<vmem>> -> memref<800xi32, #tpu.memory_space<vmem>>
    %dma_start3A_74 = tpu.memref_slice %arg2[%add3A_69] : memref<204800xi32, #tpu.memory_space<hbm>> -> memref<800xi32, #tpu.memory_space<hbm>>
    %dma_start3A_75 = arith.constant 0 : i32
    %dma_start3A_76 = tpu.memref_slice %arg5[%dma_start3A_70, %dma_start3A_75] : memref<8x800xi32, #tpu.memory_space<vmem>> -> memref<1x800xi32, #tpu.memory_space<vmem>>
    %dma_start3A_77 = tpu.memref_squeeze %dma_start3A_76 : memref<1x800xi32, #tpu.memory_space<vmem>> -> memref<800xi32, #tpu.memory_space<vmem>>
    %dma_start3A_78 = tpu.memref_slice %arg2[%add3A_69] : memref<204800xi32, #tpu.memory_space<hbm>> -> memref<800xi32, #tpu.memory_space<hbm>>
    tpu.enqueue_dma source(%dma_start3A_78 : memref<800xi32, #tpu.memory_space<hbm>>) target(%dma_start3A_77 : memref<800xi32, #tpu.memory_space<vmem>>) target_semaphore(%arg7 : memref<!tpu.dma_semaphore, #tpu.memory_space<semaphore_mem>>)
    %add3A_79 = arith.constant 5600 : i32
    %add3A_80 = arith.addi %mul3A_2, %add3A_79 : i32
    %dma_start3A_81 = arith.constant 7 : i32
    %dma_start3A_82 = arith.constant 0 : i32
    %dma_start3A_83 = tpu.memref_slice %arg5[%dma_start3A_81, %dma_start3A_82] : memref<8x800xi32, #tpu.memory_space<vmem>> -> memref<1x800xi32, #tpu.memory_space<vmem>>
    %dma_start3A_84 = tpu.memref_squeeze %dma_start3A_83 : memref<1x800xi32, #tpu.memory_space<vmem>> -> memref<800xi32, #tpu.memory_space<vmem>>
    %dma_start3A_85 = tpu.memref_slice %arg2[%add3A_80] : memref<204800xi32, #tpu.memory_space<hbm>> -> memref<800xi32, #tpu.memory_space<hbm>>
    %dma_start3A_86 = arith.constant 0 : i32
    %dma_start3A_87 = tpu.memref_slice %arg5[%dma_start3A_81, %dma_start3A_86] : memref<8x800xi32, #tpu.memory_space<vmem>> -> memref<1x800xi32, #tpu.memory_space<vmem>>
    %dma_start3A_88 = tpu.memref_squeeze %dma_start3A_87 : memref<1x800xi32, #tpu.memory_space<vmem>> -> memref<800xi32, #tpu.memory_space<vmem>>
    %dma_start3A_89 = tpu.memref_slice %arg2[%add3A_80] : memref<204800xi32, #tpu.memory_space<hbm>> -> memref<800xi32, #tpu.memory_space<hbm>>
    tpu.enqueue_dma source(%dma_start3A_89 : memref<800xi32, #tpu.memory_space<hbm>>) target(%dma_start3A_88 : memref<800xi32, #tpu.memory_space<vmem>>) target_semaphore(%arg7 : memref<!tpu.dma_semaphore, #tpu.memory_space<semaphore_mem>>)
    %dma_wait3A = arith.constant 0 : i32
    %dma_wait3A_90 = arith.constant 0 : i32
    %dma_wait3A_91 = tpu.memref_slice %arg5[%dma_wait3A, %dma_wait3A_90] : memref<8x800xi32, #tpu.memory_space<vmem>> -> memref<1x800xi32, #tpu.memory_space<vmem>>
    %dma_wait3A_92 = tpu.memref_squeeze %dma_wait3A_91 : memref<1x800xi32, #tpu.memory_space<vmem>> -> memref<800xi32, #tpu.memory_space<vmem>>
    %dma_wait3A_93 = tpu.memref_slice %arg2[%add3A_4] : memref<204800xi32, #tpu.memory_space<hbm>> -> memref<800xi32, #tpu.memory_space<hbm>>
    %dma_wait3A_94 = arith.constant 0 : i32
    %dma_wait3A_95 = tpu.memref_slice %arg5[%dma_wait3A, %dma_wait3A_94] : memref<8x800xi32, #tpu.memory_space<vmem>> -> memref<1x800xi32, #tpu.memory_space<vmem>>
    %dma_wait3A_96 = tpu.memref_squeeze %dma_wait3A_95 : memref<1x800xi32, #tpu.memory_space<vmem>> -> memref<800xi32, #tpu.memory_space<vmem>>
    %dma_wait3A_97 = tpu.memref_slice %arg2[%add3A_4] : memref<204800xi32, #tpu.memory_space<hbm>> -> memref<800xi32, #tpu.memory_space<hbm>>
    tpu.wait_dma2 semaphore(%arg7 : memref<!tpu.dma_semaphore, #tpu.memory_space<semaphore_mem>>) src(%dma_wait3A_97 : memref<800xi32, #tpu.memory_space<hbm>>) dst(%dma_wait3A_96 : memref<800xi32, #tpu.memory_space<vmem>>)
    %dma_wait3A_98 = arith.constant 1 : i32
    %dma_wait3A_99 = arith.constant 0 : i32
    %dma_wait3A_100 = tpu.memref_slice %arg5[%dma_wait3A_98, %dma_wait3A_99] : memref<8x800xi32, #tpu.memory_space<vmem>> -> memref<1x800xi32, #tpu.memory_space<vmem>>
    %dma_wait3A_101 = tpu.memref_squeeze %dma_wait3A_100 : memref<1x800xi32, #tpu.memory_space<vmem>> -> memref<800xi32, #tpu.memory_space<vmem>>
    %dma_wait3A_102 = tpu.memref_slice %arg2[%add3A_14] : memref<204800xi32, #tpu.memory_space<hbm>> -> memref<800xi32, #tpu.memory_space<hbm>>
    %dma_wait3A_103 = arith.constant 0 : i32
    %dma_wait3A_104 = tpu.memref_slice %arg5[%dma_wait3A_98, %dma_wait3A_103] : memref<8x800xi32, #tpu.memory_space<vmem>> -> memref<1x800xi32, #tpu.memory_space<vmem>>
    %dma_wait3A_105 = tpu.memref_squeeze %dma_wait3A_104 : memref<1x800xi32, #tpu.memory_space<vmem>> -> memref<800xi32, #tpu.memory_space<vmem>>
    %dma_wait3A_106 = tpu.memref_slice %arg2[%add3A_14] : memref<204800xi32, #tpu.memory_space<hbm>> -> memref<800xi32, #tpu.memory_space<hbm>>
    tpu.wait_dma2 semaphore(%arg7 : memref<!tpu.dma_semaphore, #tpu.memory_space<semaphore_mem>>) src(%dma_wait3A_106 : memref<800xi32, #tpu.memory_space<hbm>>) dst(%dma_wait3A_105 : memref<800xi32, #tpu.memory_space<vmem>>)
    %dma_wait3A_107 = arith.constant 2 : i32
    %dma_wait3A_108 = arith.constant 0 : i32
    %dma_wait3A_109 = tpu.memref_slice %arg5[%dma_wait3A_107, %dma_wait3A_108] : memref<8x800xi32, #tpu.memory_space<vmem>> -> memref<1x800xi32, #tpu.memory_space<vmem>>
    %dma_wait3A_110 = tpu.memref_squeeze %dma_wait3A_109 : memref<1x800xi32, #tpu.memory_space<vmem>> -> memref<800xi32, #tpu.memory_space<vmem>>
    %dma_wait3A_111 = tpu.memref_slice %arg2[%add3A_25] : memref<204800xi32, #tpu.memory_space<hbm>> -> memref<800xi32, #tpu.memory_space<hbm>>
    %dma_wait3A_112 = arith.constant 0 : i32
    %dma_wait3A_113 = tpu.memref_slice %arg5[%dma_wait3A_107, %dma_wait3A_112] : memref<8x800xi32, #tpu.memory_space<vmem>> -> memref<1x800xi32, #tpu.memory_space<vmem>>
    %dma_wait3A_114 = tpu.memref_squeeze %dma_wait3A_113 : memref<1x800xi32, #tpu.memory_space<vmem>> -> memref<800xi32, #tpu.memory_space<vmem>>
    %dma_wait3A_115 = tpu.memref_slice %arg2[%add3A_25] : memref<204800xi32, #tpu.memory_space<hbm>> -> memref<800xi32, #tpu.memory_space<hbm>>
    tpu.wait_dma2 semaphore(%arg7 : memref<!tpu.dma_semaphore, #tpu.memory_space<semaphore_mem>>) src(%dma_wait3A_115 : memref<800xi32, #tpu.memory_space<hbm>>) dst(%dma_wait3A_114 : memref<800xi32, #tpu.memory_space<vmem>>)
    %dma_wait3A_116 = arith.constant 3 : i32
    %dma_wait3A_117 = arith.constant 0 : i32
    %dma_wait3A_118 = tpu.memref_slice %arg5[%dma_wait3A_116, %dma_wait3A_117] : memref<8x800xi32, #tpu.memory_space<vmem>> -> memref<1x800xi32, #tpu.memory_space<vmem>>
    %dma_wait3A_119 = tpu.memref_squeeze %dma_wait3A_118 : memref<1x800xi32, #tpu.memory_space<vmem>> -> memref<800xi32, #tpu.memory_space<vmem>>
    %dma_wait3A_120 = tpu.memref_slice %arg2[%add3A_36] : memref<204800xi32, #tpu.memory_space<hbm>> -> memref<800xi32, #tpu.memory_space<hbm>>
    %dma_wait3A_121 = arith.constant 0 : i32
    %dma_wait3A_122 = tpu.memref_slice %arg5[%dma_wait3A_116, %dma_wait3A_121] : memref<8x800xi32, #tpu.memory_space<vmem>> -> memref<1x800xi32, #tpu.memory_space<vmem>>
    %dma_wait3A_123 = tpu.memref_squeeze %dma_wait3A_122 : memref<1x800xi32, #tpu.memory_space<vmem>> -> memref<800xi32, #tpu.memory_space<vmem>>
    %dma_wait3A_124 = tpu.memref_slice %arg2[%add3A_36] : memref<204800xi32, #tpu.memory_space<hbm>> -> memref<800xi32, #tpu.memory_space<hbm>>
    tpu.wait_dma2 semaphore(%arg7 : memref<!tpu.dma_semaphore, #tpu.memory_space<semaphore_mem>>) src(%dma_wait3A_124 : memref<800xi32, #tpu.memory_space<hbm>>) dst(%dma_wait3A_123 : memref<800xi32, #tpu.memory_space<vmem>>)
    %dma_wait3A_125 = arith.constant 4 : i32
    %dma_wait3A_126 = arith.constant 0 : i32
    %dma_wait3A_127 = tpu.memref_slice %arg5[%dma_wait3A_125, %dma_wait3A_126] : memref<8x800xi32, #tpu.memory_space<vmem>> -> memref<1x800xi32, #tpu.memory_space<vmem>>
    %dma_wait3A_128 = tpu.memref_squeeze %dma_wait3A_127 : memref<1x800xi32, #tpu.memory_space<vmem>> -> memref<800xi32, #tpu.memory_space<vmem>>
    %dma_wait3A_129 = tpu.memref_slice %arg2[%add3A_47] : memref<204800xi32, #tpu.memory_space<hbm>> -> memref<800xi32, #tpu.memory_space<hbm>>
    %dma_wait3A_130 = arith.constant 0 : i32
    %dma_wait3A_131 = tpu.memref_slice %arg5[%dma_wait3A_125, %dma_wait3A_130] : memref<8x800xi32, #tpu.memory_space<vmem>> -> memref<1x800xi32, #tpu.memory_space<vmem>>
    %dma_wait3A_132 = tpu.memref_squeeze %dma_wait3A_131 : memref<1x800xi32, #tpu.memory_space<vmem>> -> memref<800xi32, #tpu.memory_space<vmem>>
    %dma_wait3A_133 = tpu.memref_slice %arg2[%add3A_47] : memref<204800xi32, #tpu.memory_space<hbm>> -> memref<800xi32, #tpu.memory_space<hbm>>
    tpu.wait_dma2 semaphore(%arg7 : memref<!tpu.dma_semaphore, #tpu.memory_space<semaphore_mem>>) src(%dma_wait3A_133 : memref<800xi32, #tpu.memory_space<hbm>>) dst(%dma_wait3A_132 : memref<800xi32, #tpu.memory_space<vmem>>)
    %dma_wait3A_134 = arith.constant 5 : i32
    %dma_wait3A_135 = arith.constant 0 : i32
    %dma_wait3A_136 = tpu.memref_slice %arg5[%dma_wait3A_134, %dma_wait3A_135] : memref<8x800xi32, #tpu.memory_space<vmem>> -> memref<1x800xi32, #tpu.memory_space<vmem>>
    %dma_wait3A_137 = tpu.memref_squeeze %dma_wait3A_136 : memref<1x800xi32, #tpu.memory_space<vmem>> -> memref<800xi32, #tpu.memory_space<vmem>>
    %dma_wait3A_138 = tpu.memref_slice %arg2[%add3A_58] : memref<204800xi32, #tpu.memory_space<hbm>> -> memref<800xi32, #tpu.memory_space<hbm>>
    %dma_wait3A_139 = arith.constant 0 : i32
    %dma_wait3A_140 = tpu.memref_slice %arg5[%dma_wait3A_134, %dma_wait3A_139] : memref<8x800xi32, #tpu.memory_space<vmem>> -> memref<1x800xi32, #tpu.memory_space<vmem>>
    %dma_wait3A_141 = tpu.memref_squeeze %dma_wait3A_140 : memref<1x800xi32, #tpu.memory_space<vmem>> -> memref<800xi32, #tpu.memory_space<vmem>>
    %dma_wait3A_142 = tpu.memref_slice %arg2[%add3A_58] : memref<204800xi32, #tpu.memory_space<hbm>> -> memref<800xi32, #tpu.memory_space<hbm>>
    tpu.wait_dma2 semaphore(%arg7 : memref<!tpu.dma_semaphore, #tpu.memory_space<semaphore_mem>>) src(%dma_wait3A_142 : memref<800xi32, #tpu.memory_space<hbm>>) dst(%dma_wait3A_141 : memref<800xi32, #tpu.memory_space<vmem>>)
    %dma_wait3A_143 = arith.constant 6 : i32
    %dma_wait3A_144 = arith.constant 0 : i32
    %dma_wait3A_145 = tpu.memref_slice %arg5[%dma_wait3A_143, %dma_wait3A_144] : memref<8x800xi32, #tpu.memory_space<vmem>> -> memref<1x800xi32, #tpu.memory_space<vmem>>
    %dma_wait3A_146 = tpu.memref_squeeze %dma_wait3A_145 : memref<1x800xi32, #tpu.memory_space<vmem>> -> memref<800xi32, #tpu.memory_space<vmem>>
    %dma_wait3A_147 = tpu.memref_slice %arg2[%add3A_69] : memref<204800xi32, #tpu.memory_space<hbm>> -> memref<800xi32, #tpu.memory_space<hbm>>
    %dma_wait3A_148 = arith.constant 0 : i32
    %dma_wait3A_149 = tpu.memref_slice %arg5[%dma_wait3A_143, %dma_wait3A_148] : memref<8x800xi32, #tpu.memory_space<vmem>> -> memref<1x800xi32, #tpu.memory_space<vmem>>
    %dma_wait3A_150 = tpu.memref_squeeze %dma_wait3A_149 : memref<1x800xi32, #tpu.memory_space<vmem>> -> memref<800xi32, #tpu.memory_space<vmem>>
    %dma_wait3A_151 = tpu.memref_slice %arg2[%add3A_69] : memref<204800xi32, #tpu.memory_space<hbm>> -> memref<800xi32, #tpu.memory_space<hbm>>
    tpu.wait_dma2 semaphore(%arg7 : memref<!tpu.dma_semaphore, #tpu.memory_space<semaphore_mem>>) src(%dma_wait3A_151 : memref<800xi32, #tpu.memory_space<hbm>>) dst(%dma_wait3A_150 : memref<800xi32, #tpu.memory_space<vmem>>)
    %dma_wait3A_152 = arith.constant 7 : i32
    %dma_wait3A_153 = arith.constant 0 : i32
    %dma_wait3A_154 = tpu.memref_slice %arg5[%dma_wait3A_152, %dma_wait3A_153] : memref<8x800xi32, #tpu.memory_space<vmem>> -> memref<1x800xi32, #tpu.memory_space<vmem>>
    %dma_wait3A_155 = tpu.memref_squeeze %dma_wait3A_154 : memref<1x800xi32, #tpu.memory_space<vmem>> -> memref<800xi32, #tpu.memory_space<vmem>>
    %dma_wait3A_156 = tpu.memref_slice %arg2[%add3A_80] : memref<204800xi32, #tpu.memory_space<hbm>> -> memref<800xi32, #tpu.memory_space<hbm>>
    %dma_wait3A_157 = arith.constant 0 : i32
    %dma_wait3A_158 = tpu.memref_slice %arg5[%dma_wait3A_152, %dma_wait3A_157] : memref<8x800xi32, #tpu.memory_space<vmem>> -> memref<1x800xi32, #tpu.memory_space<vmem>>
    %dma_wait3A_159 = tpu.memref_squeeze %dma_wait3A_158 : memref<1x800xi32, #tpu.memory_space<vmem>> -> memref<800xi32, #tpu.memory_space<vmem>>
    %dma_wait3A_160 = tpu.memref_slice %arg2[%add3A_80] : memref<204800xi32, #tpu.memory_space<hbm>> -> memref<800xi32, #tpu.memory_space<hbm>>
    tpu.wait_dma2 semaphore(%arg7 : memref<!tpu.dma_semaphore, #tpu.memory_space<semaphore_mem>>) src(%dma_wait3A_160 : memref<800xi32, #tpu.memory_space<hbm>>) dst(%dma_wait3A_159 : memref<800xi32, #tpu.memory_space<vmem>>)
    %dma_start3A_161 = arith.constant 0 : i32
    %dma_start3A_162 = arith.constant 0 : i32
    %dma_start3A_163 = arith.constant 0 : i32
    %dma_start3A_164 = arith.constant 0 : i32
    %dma_start3A_165 = arith.constant 0 : i32
    %dma_start3A_166 = tpu.memref_slice %arg6[%dma_start3A_162, %dma_start3A_164, %dma_start3A_165] : memref<2x800x64xf32, #tpu.memory_space<vmem>> -> memref<1x800x64xf32, #tpu.memory_space<vmem>>
    %dma_start3A_167 = tpu.memref_squeeze %dma_start3A_166 : memref<1x800x64xf32, #tpu.memory_space<vmem>> -> memref<800x64xf32, #tpu.memory_space<vmem>>
    %dma_start3A_168 = arith.constant 0 : i32
    %dma_start3A_169 = tpu.memref_slice %arg5[%dma_start3A_161, %dma_start3A_168] : memref<8x800xi32, #tpu.memory_space<vmem>> -> memref<1x800xi32, #tpu.memory_space<vmem>>
    %dma_start3A_170 = tpu.memref_squeeze %dma_start3A_169 : memref<1x800xi32, #tpu.memory_space<vmem>> -> memref<800xi32, #tpu.memory_space<vmem>>
    %dma_start3A_171 = arith.constant 0 : i32
    %dma_start3A_172 = arith.constant 0 : i32
    %dma_start3A_173 = tpu.memref_slice %arg3[%dma_start3A_171, %dma_start3A_172] : memref<1000000x64xf32, #tpu.memory_space<hbm>> -> memref<1000000x64xf32, #tpu.memory_space<hbm>>
    %dma_start3A_174 = tpu.memref_slice %arg8[%dma_start3A_163] : memref<2x!tpu.dma_semaphore, #tpu.memory_space<semaphore_mem>> -> memref<1x!tpu.dma_semaphore, #tpu.memory_space<semaphore_mem>>
    %dma_start3A_175 = tpu.memref_squeeze %dma_start3A_174 : memref<1x!tpu.dma_semaphore, #tpu.memory_space<semaphore_mem>> -> memref<!tpu.dma_semaphore, #tpu.memory_space<semaphore_mem>>
    tpu.enqueue_indirect_dma source(%dma_start3A_173 : memref<1000000x64xf32, #tpu.memory_space<hbm>>) target(%dma_start3A_167 : memref<800x64xf32, #tpu.memory_space<vmem>>) offsets(%dma_start3A_170 : memref<800xi32, #tpu.memory_space<vmem>>) semaphore(%dma_start3A_175 : memref<!tpu.dma_semaphore, #tpu.memory_space<semaphore_mem>>)
    %dma_start3A_176 = arith.constant 1 : i32
    %dma_start3A_177 = arith.constant 1 : i32
    %dma_start3A_178 = arith.constant 1 : i32
    %dma_start3A_179 = arith.constant 0 : i32
    %dma_start3A_180 = arith.constant 0 : i32
    %dma_start3A_181 = tpu.memref_slice %arg6[%dma_start3A_177, %dma_start3A_179, %dma_start3A_180] : memref<2x800x64xf32, #tpu.memory_space<vmem>> -> memref<1x800x64xf32, #tpu.memory_space<vmem>>
    %dma_start3A_182 = tpu.memref_squeeze %dma_start3A_181 : memref<1x800x64xf32, #tpu.memory_space<vmem>> -> memref<800x64xf32, #tpu.memory_space<vmem>>
    %dma_start3A_183 = arith.constant 0 : i32
    %dma_start3A_184 = tpu.memref_slice %arg5[%dma_start3A_176, %dma_start3A_183] : memref<8x800xi32, #tpu.memory_space<vmem>> -> memref<1x800xi32, #tpu.memory_space<vmem>>
    %dma_start3A_185 = tpu.memref_squeeze %dma_start3A_184 : memref<1x800xi32, #tpu.memory_space<vmem>> -> memref<800xi32, #tpu.memory_space<vmem>>
    %dma_start3A_186 = arith.constant 0 : i32
    %dma_start3A_187 = arith.constant 0 : i32
    %dma_start3A_188 = tpu.memref_slice %arg3[%dma_start3A_186, %dma_start3A_187] : memref<1000000x64xf32, #tpu.memory_space<hbm>> -> memref<1000000x64xf32, #tpu.memory_space<hbm>>
    %dma_start3A_189 = tpu.memref_slice %arg8[%dma_start3A_178] : memref<2x!tpu.dma_semaphore, #tpu.memory_space<semaphore_mem>> -> memref<1x!tpu.dma_semaphore, #tpu.memory_space<semaphore_mem>>
    %dma_start3A_190 = tpu.memref_squeeze %dma_start3A_189 : memref<1x!tpu.dma_semaphore, #tpu.memory_space<semaphore_mem>> -> memref<!tpu.dma_semaphore, #tpu.memory_space<semaphore_mem>>
    tpu.enqueue_indirect_dma source(%dma_start3A_188 : memref<1000000x64xf32, #tpu.memory_space<hbm>>) target(%dma_start3A_182 : memref<800x64xf32, #tpu.memory_space<vmem>>) offsets(%dma_start3A_185 : memref<800xi32, #tpu.memory_space<vmem>>) semaphore(%dma_start3A_190 : memref<!tpu.dma_semaphore, #tpu.memory_space<semaphore_mem>>)
    %dma_wait3A_191 = arith.constant 0 : i32
    %dma_wait3A_192 = arith.constant 0 : i32
    %dma_wait3A_193 = arith.constant 0 : i32
    %dma_wait3A_194 = arith.constant 0 : i32
    %dma_wait3A_195 = arith.constant 0 : i32
    %dma_wait3A_196 = tpu.memref_slice %arg6[%dma_wait3A_192, %dma_wait3A_194, %dma_wait3A_195] : memref<2x800x64xf32, #tpu.memory_space<vmem>> -> memref<1x800x64xf32, #tpu.memory_space<vmem>>
    %dma_wait3A_197 = tpu.memref_squeeze %dma_wait3A_196 : memref<1x800x64xf32, #tpu.memory_space<vmem>> -> memref<800x64xf32, #tpu.memory_space<vmem>>
    %dma_wait3A_198 = arith.constant 0 : i32
    %dma_wait3A_199 = tpu.memref_slice %arg5[%dma_wait3A_191, %dma_wait3A_198] : memref<8x800xi32, #tpu.memory_space<vmem>> -> memref<1x800xi32, #tpu.memory_space<vmem>>
    %dma_wait3A_200 = tpu.memref_squeeze %dma_wait3A_199 : memref<1x800xi32, #tpu.memory_space<vmem>> -> memref<800xi32, #tpu.memory_space<vmem>>
    %dma_wait3A_201 = arith.constant 0 : i32
    %dma_wait3A_202 = arith.constant 0 : i32
    %dma_wait3A_203 = tpu.memref_slice %arg3[%dma_wait3A_201, %dma_wait3A_202] : memref<1000000x64xf32, #tpu.memory_space<hbm>> -> memref<1000000x64xf32, #tpu.memory_space<hbm>>
    %dma_wait3A_204 = tpu.memref_slice %arg8[%dma_wait3A_193] : memref<2x!tpu.dma_semaphore, #tpu.memory_space<semaphore_mem>> -> memref<1x!tpu.dma_semaphore, #tpu.memory_space<semaphore_mem>>
    %dma_wait3A_205 = tpu.memref_squeeze %dma_wait3A_204 : memref<1x!tpu.dma_semaphore, #tpu.memory_space<semaphore_mem>> -> memref<!tpu.dma_semaphore, #tpu.memory_space<semaphore_mem>>
    tpu.wait_indirect_dma semaphore(%dma_wait3A_205 : memref<!tpu.dma_semaphore, #tpu.memory_space<semaphore_mem>>) src(%dma_wait3A_203 : memref<1000000x64xf32, #tpu.memory_space<hbm>>) dst(%dma_wait3A_197 : memref<800x64xf32, #tpu.memory_space<vmem>>)
    %add3A_206 = arith.constant 0 : i32
    %add3A_207 = arith.addi %mul3A_2, %add3A_206 : i32
    %dma_start3A_208 = arith.constant 0 : i32
    %dma_start3A_209 = arith.constant 0 : i32
    %dma_start3A_210 = arith.constant 0 : i32
    %dma_start3A_211 = arith.constant 0 : i32
    %dma_start3A_212 = tpu.memref_slice %arg6[%dma_start3A_208, %dma_start3A_210, %dma_start3A_211] : memref<2x800x64xf32, #tpu.memory_space<vmem>> -> memref<1x800x64xf32, #tpu.memory_space<vmem>>
    %dma_start3A_213 = tpu.memref_squeeze %dma_start3A_212 : memref<1x800x64xf32, #tpu.memory_space<vmem>> -> memref<800x64xf32, #tpu.memory_space<vmem>>
    %dma_start3A_214 = arith.constant 0 : i32
    %dma_start3A_215 = tpu.memref_slice %arg4[%add3A_207, %dma_start3A_214] : memref<204800x64xf32, #tpu.memory_space<hbm>> -> memref<800x64xf32, #tpu.memory_space<hbm>>
    %dma_start3A_216 = tpu.memref_slice %arg9[%dma_start3A_209] : memref<2x!tpu.dma_semaphore, #tpu.memory_space<semaphore_mem>> -> memref<1x!tpu.dma_semaphore, #tpu.memory_space<semaphore_mem>>
    %dma_start3A_217 = tpu.memref_squeeze %dma_start3A_216 : memref<1x!tpu.dma_semaphore, #tpu.memory_space<semaphore_mem>> -> memref<!tpu.dma_semaphore, #tpu.memory_space<semaphore_mem>>
    %dma_start3A_218 = arith.constant 0 : i32
    %dma_start3A_219 = tpu.memref_slice %arg4[%add3A_207, %dma_start3A_218] : memref<204800x64xf32, #tpu.memory_space<hbm>> -> memref<800x64xf32, #tpu.memory_space<hbm>>
    %dma_start3A_220 = arith.constant 0 : i32
    %dma_start3A_221 = arith.constant 0 : i32
    %dma_start3A_222 = tpu.memref_slice %arg6[%dma_start3A_208, %dma_start3A_220, %dma_start3A_221] : memref<2x800x64xf32, #tpu.memory_space<vmem>> -> memref<1x800x64xf32, #tpu.memory_space<vmem>>
    %dma_start3A_223 = tpu.memref_squeeze %dma_start3A_222 : memref<1x800x64xf32, #tpu.memory_space<vmem>> -> memref<800x64xf32, #tpu.memory_space<vmem>>
    tpu.enqueue_dma source(%dma_start3A_223 : memref<800x64xf32, #tpu.memory_space<vmem>>) target(%dma_start3A_219 : memref<800x64xf32, #tpu.memory_space<hbm>>) target_semaphore(%dma_start3A_217 : memref<!tpu.dma_semaphore, #tpu.memory_space<semaphore_mem>>)
    %dma_wait3A_224 = arith.constant 0 : i32
    %dma_wait3A_225 = arith.constant 0 : i32
    %dma_wait3A_226 = arith.constant 0 : i32
    %dma_wait3A_227 = arith.constant 0 : i32
    %dma_wait3A_228 = tpu.memref_slice %arg6[%dma_wait3A_224, %dma_wait3A_226, %dma_wait3A_227] : memref<2x800x64xf32, #tpu.memory_space<vmem>> -> memref<1x800x64xf32, #tpu.memory_space<vmem>>
    %dma_wait3A_229 = tpu.memref_squeeze %dma_wait3A_228 : memref<1x800x64xf32, #tpu.memory_space<vmem>> -> memref<800x64xf32, #tpu.memory_space<vmem>>
    %dma_wait3A_230 = arith.constant 0 : i32
    %dma_wait3A_231 = tpu.memref_slice %arg4[%add3A_207, %dma_wait3A_230] : memref<204800x64xf32, #tpu.memory_space<hbm>> -> memref<800x64xf32, #tpu.memory_space<hbm>>
    %dma_wait3A_232 = tpu.memref_slice %arg9[%dma_wait3A_225] : memref<2x!tpu.dma_semaphore, #tpu.memory_space<semaphore_mem>> -> memref<1x!tpu.dma_semaphore, #tpu.memory_space<semaphore_mem>>
    %dma_wait3A_233 = tpu.memref_squeeze %dma_wait3A_232 : memref<1x!tpu.dma_semaphore, #tpu.memory_space<semaphore_mem>> -> memref<!tpu.dma_semaphore, #tpu.memory_space<semaphore_mem>>
    %dma_wait3A_234 = arith.constant 0 : i32
    %dma_wait3A_235 = tpu.memref_slice %arg4[%add3A_207, %dma_wait3A_234] : memref<204800x64xf32, #tpu.memory_space<hbm>> -> memref<800x64xf32, #tpu.memory_space<hbm>>
    %dma_wait3A_236 = arith.constant 0 : i32
    %dma_wait3A_237 = arith.constant 0 : i32
    %dma_wait3A_238 = tpu.memref_slice %arg6[%dma_wait3A_224, %dma_wait3A_236, %dma_wait3A_237] : memref<2x800x64xf32, #tpu.memory_space<vmem>> -> memref<1x800x64xf32, #tpu.memory_space<vmem>>
    %dma_wait3A_239 = tpu.memref_squeeze %dma_wait3A_238 : memref<1x800x64xf32, #tpu.memory_space<vmem>> -> memref<800x64xf32, #tpu.memory_space<vmem>>
    tpu.wait_dma2 semaphore(%dma_wait3A_233 : memref<!tpu.dma_semaphore, #tpu.memory_space<semaphore_mem>>) src(%dma_wait3A_239 : memref<800x64xf32, #tpu.memory_space<vmem>>) dst(%dma_wait3A_235 : memref<800x64xf32, #tpu.memory_space<hbm>>)
    %dma_start3A_240 = arith.constant 2 : i32
    %dma_start3A_241 = arith.constant 0 : i32
    %dma_start3A_242 = arith.constant 0 : i32
    %dma_start3A_243 = arith.constant 0 : i32
    %dma_start3A_244 = arith.constant 0 : i32
    %dma_start3A_245 = tpu.memref_slice %arg6[%dma_start3A_241, %dma_start3A_243, %dma_start3A_244] : memref<2x800x64xf32, #tpu.memory_space<vmem>> -> memref<1x800x64xf32, #tpu.memory_space<vmem>>
    %dma_start3A_246 = tpu.memref_squeeze %dma_start3A_245 : memref<1x800x64xf32, #tpu.memory_space<vmem>> -> memref<800x64xf32, #tpu.memory_space<vmem>>
    %dma_start3A_247 = arith.constant 0 : i32
    %dma_start3A_248 = tpu.memref_slice %arg5[%dma_start3A_240, %dma_start3A_247] : memref<8x800xi32, #tpu.memory_space<vmem>> -> memref<1x800xi32, #tpu.memory_space<vmem>>
    %dma_start3A_249 = tpu.memref_squeeze %dma_start3A_248 : memref<1x800xi32, #tpu.memory_space<vmem>> -> memref<800xi32, #tpu.memory_space<vmem>>
    %dma_start3A_250 = arith.constant 0 : i32
    %dma_start3A_251 = arith.constant 0 : i32
    %dma_start3A_252 = tpu.memref_slice %arg3[%dma_start3A_250, %dma_start3A_251] : memref<1000000x64xf32, #tpu.memory_space<hbm>> -> memref<1000000x64xf32, #tpu.memory_space<hbm>>
    %dma_start3A_253 = tpu.memref_slice %arg8[%dma_start3A_242] : memref<2x!tpu.dma_semaphore, #tpu.memory_space<semaphore_mem>> -> memref<1x!tpu.dma_semaphore, #tpu.memory_space<semaphore_mem>>
    %dma_start3A_254 = tpu.memref_squeeze %dma_start3A_253 : memref<1x!tpu.dma_semaphore, #tpu.memory_space<semaphore_mem>> -> memref<!tpu.dma_semaphore, #tpu.memory_space<semaphore_mem>>
    tpu.enqueue_indirect_dma source(%dma_start3A_252 : memref<1000000x64xf32, #tpu.memory_space<hbm>>) target(%dma_start3A_246 : memref<800x64xf32, #tpu.memory_space<vmem>>) offsets(%dma_start3A_249 : memref<800xi32, #tpu.memory_space<vmem>>) semaphore(%dma_start3A_254 : memref<!tpu.dma_semaphore, #tpu.memory_space<semaphore_mem>>)
    %dma_wait3A_255 = arith.constant 1 : i32
    %dma_wait3A_256 = arith.constant 1 : i32
    %dma_wait3A_257 = arith.constant 1 : i32
    %dma_wait3A_258 = arith.constant 0 : i32
    %dma_wait3A_259 = arith.constant 0 : i32
    %dma_wait3A_260 = tpu.memref_slice %arg6[%dma_wait3A_256, %dma_wait3A_258, %dma_wait3A_259] : memref<2x800x64xf32, #tpu.memory_space<vmem>> -> memref<1x800x64xf32, #tpu.memory_space<vmem>>
    %dma_wait3A_261 = tpu.memref_squeeze %dma_wait3A_260 : memref<1x800x64xf32, #tpu.memory_space<vmem>> -> memref<800x64xf32, #tpu.memory_space<vmem>>
    %dma_wait3A_262 = arith.constant 0 : i32
    %dma_wait3A_263 = tpu.memref_slice %arg5[%dma_wait3A_255, %dma_wait3A_262] : memref<8x800xi32, #tpu.memory_space<vmem>> -> memref<1x800xi32, #tpu.memory_space<vmem>>
    %dma_wait3A_264 = tpu.memref_squeeze %dma_wait3A_263 : memref<1x800xi32, #tpu.memory_space<vmem>> -> memref<800xi32, #tpu.memory_space<vmem>>
    %dma_wait3A_265 = arith.constant 0 : i32
    %dma_wait3A_266 = arith.constant 0 : i32
    %dma_wait3A_267 = tpu.memref_slice %arg3[%dma_wait3A_265, %dma_wait3A_266] : memref<1000000x64xf32, #tpu.memory_space<hbm>> -> memref<1000000x64xf32, #tpu.memory_space<hbm>>
    %dma_wait3A_268 = tpu.memref_slice %arg8[%dma_wait3A_257] : memref<2x!tpu.dma_semaphore, #tpu.memory_space<semaphore_mem>> -> memref<1x!tpu.dma_semaphore, #tpu.memory_space<semaphore_mem>>
    %dma_wait3A_269 = tpu.memref_squeeze %dma_wait3A_268 : memref<1x!tpu.dma_semaphore, #tpu.memory_space<semaphore_mem>> -> memref<!tpu.dma_semaphore, #tpu.memory_space<semaphore_mem>>
    tpu.wait_indirect_dma semaphore(%dma_wait3A_269 : memref<!tpu.dma_semaphore, #tpu.memory_space<semaphore_mem>>) src(%dma_wait3A_267 : memref<1000000x64xf32, #tpu.memory_space<hbm>>) dst(%dma_wait3A_261 : memref<800x64xf32, #tpu.memory_space<vmem>>)
    %add3A_270 = arith.constant 800 : i32
    %add3A_271 = arith.addi %mul3A_2, %add3A_270 : i32
    %dma_start3A_272 = arith.constant 1 : i32
    %dma_start3A_273 = arith.constant 1 : i32
    %dma_start3A_274 = arith.constant 0 : i32
    %dma_start3A_275 = arith.constant 0 : i32
    %dma_start3A_276 = tpu.memref_slice %arg6[%dma_start3A_272, %dma_start3A_274, %dma_start3A_275] : memref<2x800x64xf32, #tpu.memory_space<vmem>> -> memref<1x800x64xf32, #tpu.memory_space<vmem>>
    %dma_start3A_277 = tpu.memref_squeeze %dma_start3A_276 : memref<1x800x64xf32, #tpu.memory_space<vmem>> -> memref<800x64xf32, #tpu.memory_space<vmem>>
    %dma_start3A_278 = arith.constant 0 : i32
    %dma_start3A_279 = tpu.memref_slice %arg4[%add3A_271, %dma_start3A_278] : memref<204800x64xf32, #tpu.memory_space<hbm>> -> memref<800x64xf32, #tpu.memory_space<hbm>>
    %dma_start3A_280 = tpu.memref_slice %arg9[%dma_start3A_273] : memref<2x!tpu.dma_semaphore, #tpu.memory_space<semaphore_mem>> -> memref<1x!tpu.dma_semaphore, #tpu.memory_space<semaphore_mem>>
    %dma_start3A_281 = tpu.memref_squeeze %dma_start3A_280 : memref<1x!tpu.dma_semaphore, #tpu.memory_space<semaphore_mem>> -> memref<!tpu.dma_semaphore, #tpu.memory_space<semaphore_mem>>
    %dma_start3A_282 = arith.constant 0 : i32
    %dma_start3A_283 = tpu.memref_slice %arg4[%add3A_271, %dma_start3A_282] : memref<204800x64xf32, #tpu.memory_space<hbm>> -> memref<800x64xf32, #tpu.memory_space<hbm>>
    %dma_start3A_284 = arith.constant 0 : i32
    %dma_start3A_285 = arith.constant 0 : i32
    %dma_start3A_286 = tpu.memref_slice %arg6[%dma_start3A_272, %dma_start3A_284, %dma_start3A_285] : memref<2x800x64xf32, #tpu.memory_space<vmem>> -> memref<1x800x64xf32, #tpu.memory_space<vmem>>
    %dma_start3A_287 = tpu.memref_squeeze %dma_start3A_286 : memref<1x800x64xf32, #tpu.memory_space<vmem>> -> memref<800x64xf32, #tpu.memory_space<vmem>>
    tpu.enqueue_dma source(%dma_start3A_287 : memref<800x64xf32, #tpu.memory_space<vmem>>) target(%dma_start3A_283 : memref<800x64xf32, #tpu.memory_space<hbm>>) target_semaphore(%dma_start3A_281 : memref<!tpu.dma_semaphore, #tpu.memory_space<semaphore_mem>>)
    %dma_wait3A_288 = arith.constant 1 : i32
    %dma_wait3A_289 = arith.constant 1 : i32
    %dma_wait3A_290 = arith.constant 0 : i32
    %dma_wait3A_291 = arith.constant 0 : i32
    %dma_wait3A_292 = tpu.memref_slice %arg6[%dma_wait3A_288, %dma_wait3A_290, %dma_wait3A_291] : memref<2x800x64xf32, #tpu.memory_space<vmem>> -> memref<1x800x64xf32, #tpu.memory_space<vmem>>
    %dma_wait3A_293 = tpu.memref_squeeze %dma_wait3A_292 : memref<1x800x64xf32, #tpu.memory_space<vmem>> -> memref<800x64xf32, #tpu.memory_space<vmem>>
    %dma_wait3A_294 = arith.constant 0 : i32
    %dma_wait3A_295 = tpu.memref_slice %arg4[%add3A_271, %dma_wait3A_294] : memref<204800x64xf32, #tpu.memory_space<hbm>> -> memref<800x64xf32, #tpu.memory_space<hbm>>
    %dma_wait3A_296 = tpu.memref_slice %arg9[%dma_wait3A_289] : memref<2x!tpu.dma_semaphore, #tpu.memory_space<semaphore_mem>> -> memref<1x!tpu.dma_semaphore, #tpu.memory_space<semaphore_mem>>
    %dma_wait3A_297 = tpu.memref_squeeze %dma_wait3A_296 : memref<1x!tpu.dma_semaphore, #tpu.memory_space<semaphore_mem>> -> memref<!tpu.dma_semaphore, #tpu.memory_space<semaphore_mem>>
    %dma_wait3A_298 = arith.constant 0 : i32
    %dma_wait3A_299 = tpu.memref_slice %arg4[%add3A_271, %dma_wait3A_298] : memref<204800x64xf32, #tpu.memory_space<hbm>> -> memref<800x64xf32, #tpu.memory_space<hbm>>
    %dma_wait3A_300 = arith.constant 0 : i32
    %dma_wait3A_301 = arith.constant 0 : i32
    %dma_wait3A_302 = tpu.memref_slice %arg6[%dma_wait3A_288, %dma_wait3A_300, %dma_wait3A_301] : memref<2x800x64xf32, #tpu.memory_space<vmem>> -> memref<1x800x64xf32, #tpu.memory_space<vmem>>
    %dma_wait3A_303 = tpu.memref_squeeze %dma_wait3A_302 : memref<1x800x64xf32, #tpu.memory_space<vmem>> -> memref<800x64xf32, #tpu.memory_space<vmem>>
    tpu.wait_dma2 semaphore(%dma_wait3A_297 : memref<!tpu.dma_semaphore, #tpu.memory_space<semaphore_mem>>) src(%dma_wait3A_303 : memref<800x64xf32, #tpu.memory_space<vmem>>) dst(%dma_wait3A_299 : memref<800x64xf32, #tpu.memory_space<hbm>>)
    %dma_start3A_304 = arith.constant 3 : i32
    %dma_start3A_305 = arith.constant 1 : i32
    %dma_start3A_306 = arith.constant 1 : i32
    %dma_start3A_307 = arith.constant 0 : i32
    %dma_start3A_308 = arith.constant 0 : i32
    %dma_start3A_309 = tpu.memref_slice %arg6[%dma_start3A_305, %dma_start3A_307, %dma_start3A_308] : memref<2x800x64xf32, #tpu.memory_space<vmem>> -> memref<1x800x64xf32, #tpu.memory_space<vmem>>
    %dma_start3A_310 = tpu.memref_squeeze %dma_start3A_309 : memref<1x800x64xf32, #tpu.memory_space<vmem>> -> memref<800x64xf32, #tpu.memory_space<vmem>>
    %dma_start3A_311 = arith.constant 0 : i32
    %dma_start3A_312 = tpu.memref_slice %arg5[%dma_start3A_304, %dma_start3A_311] : memref<8x800xi32, #tpu.memory_space<vmem>> -> memref<1x800xi32, #tpu.memory_space<vmem>>
    %dma_start3A_313 = tpu.memref_squeeze %dma_start3A_312 : memref<1x800xi32, #tpu.memory_space<vmem>> -> memref<800xi32, #tpu.memory_space<vmem>>
    %dma_start3A_314 = arith.constant 0 : i32
    %dma_start3A_315 = arith.constant 0 : i32
    %dma_start3A_316 = tpu.memref_slice %arg3[%dma_start3A_314, %dma_start3A_315] : memref<1000000x64xf32, #tpu.memory_space<hbm>> -> memref<1000000x64xf32, #tpu.memory_space<hbm>>
    %dma_start3A_317 = tpu.memref_slice %arg8[%dma_start3A_306] : memref<2x!tpu.dma_semaphore, #tpu.memory_space<semaphore_mem>> -> memref<1x!tpu.dma_semaphore, #tpu.memory_space<semaphore_mem>>
    %dma_start3A_318 = tpu.memref_squeeze %dma_start3A_317 : memref<1x!tpu.dma_semaphore, #tpu.memory_space<semaphore_mem>> -> memref<!tpu.dma_semaphore, #tpu.memory_space<semaphore_mem>>
    tpu.enqueue_indirect_dma source(%dma_start3A_316 : memref<1000000x64xf32, #tpu.memory_space<hbm>>) target(%dma_start3A_310 : memref<800x64xf32, #tpu.memory_space<vmem>>) offsets(%dma_start3A_313 : memref<800xi32, #tpu.memory_space<vmem>>) semaphore(%dma_start3A_318 : memref<!tpu.dma_semaphore, #tpu.memory_space<semaphore_mem>>)
    %dma_wait3A_319 = arith.constant 2 : i32
    %dma_wait3A_320 = arith.constant 0 : i32
    %dma_wait3A_321 = arith.constant 0 : i32
    %dma_wait3A_322 = arith.constant 0 : i32
    %dma_wait3A_323 = arith.constant 0 : i32
    %dma_wait3A_324 = tpu.memref_slice %arg6[%dma_wait3A_320, %dma_wait3A_322, %dma_wait3A_323] : memref<2x800x64xf32, #tpu.memory_space<vmem>> -> memref<1x800x64xf32, #tpu.memory_space<vmem>>
    %dma_wait3A_325 = tpu.memref_squeeze %dma_wait3A_324 : memref<1x800x64xf32, #tpu.memory_space<vmem>> -> memref<800x64xf32, #tpu.memory_space<vmem>>
    %dma_wait3A_326 = arith.constant 0 : i32
    %dma_wait3A_327 = tpu.memref_slice %arg5[%dma_wait3A_319, %dma_wait3A_326] : memref<8x800xi32, #tpu.memory_space<vmem>> -> memref<1x800xi32, #tpu.memory_space<vmem>>
    %dma_wait3A_328 = tpu.memref_squeeze %dma_wait3A_327 : memref<1x800xi32, #tpu.memory_space<vmem>> -> memref<800xi32, #tpu.memory_space<vmem>>
    %dma_wait3A_329 = arith.constant 0 : i32
    %dma_wait3A_330 = arith.constant 0 : i32
    %dma_wait3A_331 = tpu.memref_slice %arg3[%dma_wait3A_329, %dma_wait3A_330] : memref<1000000x64xf32, #tpu.memory_space<hbm>> -> memref<1000000x64xf32, #tpu.memory_space<hbm>>
    %dma_wait3A_332 = tpu.memref_slice %arg8[%dma_wait3A_321] : memref<2x!tpu.dma_semaphore, #tpu.memory_space<semaphore_mem>> -> memref<1x!tpu.dma_semaphore, #tpu.memory_space<semaphore_mem>>
    %dma_wait3A_333 = tpu.memref_squeeze %dma_wait3A_332 : memref<1x!tpu.dma_semaphore, #tpu.memory_space<semaphore_mem>> -> memref<!tpu.dma_semaphore, #tpu.memory_space<semaphore_mem>>
    tpu.wait_indirect_dma semaphore(%dma_wait3A_333 : memref<!tpu.dma_semaphore, #tpu.memory_space<semaphore_mem>>) src(%dma_wait3A_331 : memref<1000000x64xf32, #tpu.memory_space<hbm>>) dst(%dma_wait3A_325 : memref<800x64xf32, #tpu.memory_space<vmem>>)
    %add3A_334 = arith.constant 1600 : i32
    %add3A_335 = arith.addi %mul3A_2, %add3A_334 : i32
    %dma_start3A_336 = arith.constant 0 : i32
    %dma_start3A_337 = arith.constant 0 : i32
    %dma_start3A_338 = arith.constant 0 : i32
    %dma_start3A_339 = arith.constant 0 : i32
    %dma_start3A_340 = tpu.memref_slice %arg6[%dma_start3A_336, %dma_start3A_338, %dma_start3A_339] : memref<2x800x64xf32, #tpu.memory_space<vmem>> -> memref<1x800x64xf32, #tpu.memory_space<vmem>>
    %dma_start3A_341 = tpu.memref_squeeze %dma_start3A_340 : memref<1x800x64xf32, #tpu.memory_space<vmem>> -> memref<800x64xf32, #tpu.memory_space<vmem>>
    %dma_start3A_342 = arith.constant 0 : i32
    %dma_start3A_343 = tpu.memref_slice %arg4[%add3A_335, %dma_start3A_342] : memref<204800x64xf32, #tpu.memory_space<hbm>> -> memref<800x64xf32, #tpu.memory_space<hbm>>
    %dma_start3A_344 = tpu.memref_slice %arg9[%dma_start3A_337] : memref<2x!tpu.dma_semaphore, #tpu.memory_space<semaphore_mem>> -> memref<1x!tpu.dma_semaphore, #tpu.memory_space<semaphore_mem>>
    %dma_start3A_345 = tpu.memref_squeeze %dma_start3A_344 : memref<1x!tpu.dma_semaphore, #tpu.memory_space<semaphore_mem>> -> memref<!tpu.dma_semaphore, #tpu.memory_space<semaphore_mem>>
    %dma_start3A_346 = arith.constant 0 : i32
    %dma_start3A_347 = tpu.memref_slice %arg4[%add3A_335, %dma_start3A_346] : memref<204800x64xf32, #tpu.memory_space<hbm>> -> memref<800x64xf32, #tpu.memory_space<hbm>>
    %dma_start3A_348 = arith.constant 0 : i32
    %dma_start3A_349 = arith.constant 0 : i32
    %dma_start3A_350 = tpu.memref_slice %arg6[%dma_start3A_336, %dma_start3A_348, %dma_start3A_349] : memref<2x800x64xf32, #tpu.memory_space<vmem>> -> memref<1x800x64xf32, #tpu.memory_space<vmem>>
    %dma_start3A_351 = tpu.memref_squeeze %dma_start3A_350 : memref<1x800x64xf32, #tpu.memory_space<vmem>> -> memref<800x64xf32, #tpu.memory_space<vmem>>
    tpu.enqueue_dma source(%dma_start3A_351 : memref<800x64xf32, #tpu.memory_space<vmem>>) target(%dma_start3A_347 : memref<800x64xf32, #tpu.memory_space<hbm>>) target_semaphore(%dma_start3A_345 : memref<!tpu.dma_semaphore, #tpu.memory_space<semaphore_mem>>)
    %dma_wait3A_352 = arith.constant 0 : i32
    %dma_wait3A_353 = arith.constant 0 : i32
    %dma_wait3A_354 = arith.constant 0 : i32
    %dma_wait3A_355 = arith.constant 0 : i32
    %dma_wait3A_356 = tpu.memref_slice %arg6[%dma_wait3A_352, %dma_wait3A_354, %dma_wait3A_355] : memref<2x800x64xf32, #tpu.memory_space<vmem>> -> memref<1x800x64xf32, #tpu.memory_space<vmem>>
    %dma_wait3A_357 = tpu.memref_squeeze %dma_wait3A_356 : memref<1x800x64xf32, #tpu.memory_space<vmem>> -> memref<800x64xf32, #tpu.memory_space<vmem>>
    %dma_wait3A_358 = arith.constant 0 : i32
    %dma_wait3A_359 = tpu.memref_slice %arg4[%add3A_335, %dma_wait3A_358] : memref<204800x64xf32, #tpu.memory_space<hbm>> -> memref<800x64xf32, #tpu.memory_space<hbm>>
    %dma_wait3A_360 = tpu.memref_slice %arg9[%dma_wait3A_353] : memref<2x!tpu.dma_semaphore, #tpu.memory_space<semaphore_mem>> -> memref<1x!tpu.dma_semaphore, #tpu.memory_space<semaphore_mem>>
    %dma_wait3A_361 = tpu.memref_squeeze %dma_wait3A_360 : memref<1x!tpu.dma_semaphore, #tpu.memory_space<semaphore_mem>> -> memref<!tpu.dma_semaphore, #tpu.memory_space<semaphore_mem>>
    %dma_wait3A_362 = arith.constant 0 : i32
    %dma_wait3A_363 = tpu.memref_slice %arg4[%add3A_335, %dma_wait3A_362] : memref<204800x64xf32, #tpu.memory_space<hbm>> -> memref<800x64xf32, #tpu.memory_space<hbm>>
    %dma_wait3A_364 = arith.constant 0 : i32
    %dma_wait3A_365 = arith.constant 0 : i32
    %dma_wait3A_366 = tpu.memref_slice %arg6[%dma_wait3A_352, %dma_wait3A_364, %dma_wait3A_365] : memref<2x800x64xf32, #tpu.memory_space<vmem>> -> memref<1x800x64xf32, #tpu.memory_space<vmem>>
    %dma_wait3A_367 = tpu.memref_squeeze %dma_wait3A_366 : memref<1x800x64xf32, #tpu.memory_space<vmem>> -> memref<800x64xf32, #tpu.memory_space<vmem>>
    tpu.wait_dma2 semaphore(%dma_wait3A_361 : memref<!tpu.dma_semaphore, #tpu.memory_space<semaphore_mem>>) src(%dma_wait3A_367 : memref<800x64xf32, #tpu.memory_space<vmem>>) dst(%dma_wait3A_363 : memref<800x64xf32, #tpu.memory_space<hbm>>)
    %dma_start3A_368 = arith.constant 4 : i32
    %dma_start3A_369 = arith.constant 0 : i32
    %dma_start3A_370 = arith.constant 0 : i32
    %dma_start3A_371 = arith.constant 0 : i32
    %dma_start3A_372 = arith.constant 0 : i32
    %dma_start3A_373 = tpu.memref_slice %arg6[%dma_start3A_369, %dma_start3A_371, %dma_start3A_372] : memref<2x800x64xf32, #tpu.memory_space<vmem>> -> memref<1x800x64xf32, #tpu.memory_space<vmem>>
    %dma_start3A_374 = tpu.memref_squeeze %dma_start3A_373 : memref<1x800x64xf32, #tpu.memory_space<vmem>> -> memref<800x64xf32, #tpu.memory_space<vmem>>
    %dma_start3A_375 = arith.constant 0 : i32
    %dma_start3A_376 = tpu.memref_slice %arg5[%dma_start3A_368, %dma_start3A_375] : memref<8x800xi32, #tpu.memory_space<vmem>> -> memref<1x800xi32, #tpu.memory_space<vmem>>
    %dma_start3A_377 = tpu.memref_squeeze %dma_start3A_376 : memref<1x800xi32, #tpu.memory_space<vmem>> -> memref<800xi32, #tpu.memory_space<vmem>>
    %dma_start3A_378 = arith.constant 0 : i32
    %dma_start3A_379 = arith.constant 0 : i32
    %dma_start3A_380 = tpu.memref_slice %arg3[%dma_start3A_378, %dma_start3A_379] : memref<1000000x64xf32, #tpu.memory_space<hbm>> -> memref<1000000x64xf32, #tpu.memory_space<hbm>>
    %dma_start3A_381 = tpu.memref_slice %arg8[%dma_start3A_370] : memref<2x!tpu.dma_semaphore, #tpu.memory_space<semaphore_mem>> -> memref<1x!tpu.dma_semaphore, #tpu.memory_space<semaphore_mem>>
    %dma_start3A_382 = tpu.memref_squeeze %dma_start3A_381 : memref<1x!tpu.dma_semaphore, #tpu.memory_space<semaphore_mem>> -> memref<!tpu.dma_semaphore, #tpu.memory_space<semaphore_mem>>
    tpu.enqueue_indirect_dma source(%dma_start3A_380 : memref<1000000x64xf32, #tpu.memory_space<hbm>>) target(%dma_start3A_374 : memref<800x64xf32, #tpu.memory_space<vmem>>) offsets(%dma_start3A_377 : memref<800xi32, #tpu.memory_space<vmem>>) semaphore(%dma_start3A_382 : memref<!tpu.dma_semaphore, #tpu.memory_space<semaphore_mem>>)
    %dma_wait3A_383 = arith.constant 3 : i32
    %dma_wait3A_384 = arith.constant 1 : i32
    %dma_wait3A_385 = arith.constant 1 : i32
    %dma_wait3A_386 = arith.constant 0 : i32
    %dma_wait3A_387 = arith.constant 0 : i32
    %dma_wait3A_388 = tpu.memref_slice %arg6[%dma_wait3A_384, %dma_wait3A_386, %dma_wait3A_387] : memref<2x800x64xf32, #tpu.memory_space<vmem>> -> memref<1x800x64xf32, #tpu.memory_space<vmem>>
    %dma_wait3A_389 = tpu.memref_squeeze %dma_wait3A_388 : memref<1x800x64xf32, #tpu.memory_space<vmem>> -> memref<800x64xf32, #tpu.memory_space<vmem>>
    %dma_wait3A_390 = arith.constant 0 : i32
    %dma_wait3A_391 = tpu.memref_slice %arg5[%dma_wait3A_383, %dma_wait3A_390] : memref<8x800xi32, #tpu.memory_space<vmem>> -> memref<1x800xi32, #tpu.memory_space<vmem>>
    %dma_wait3A_392 = tpu.memref_squeeze %dma_wait3A_391 : memref<1x800xi32, #tpu.memory_space<vmem>> -> memref<800xi32, #tpu.memory_space<vmem>>
    %dma_wait3A_393 = arith.constant 0 : i32
    %dma_wait3A_394 = arith.constant 0 : i32
    %dma_wait3A_395 = tpu.memref_slice %arg3[%dma_wait3A_393, %dma_wait3A_394] : memref<1000000x64xf32, #tpu.memory_space<hbm>> -> memref<1000000x64xf32, #tpu.memory_space<hbm>>
    %dma_wait3A_396 = tpu.memref_slice %arg8[%dma_wait3A_385] : memref<2x!tpu.dma_semaphore, #tpu.memory_space<semaphore_mem>> -> memref<1x!tpu.dma_semaphore, #tpu.memory_space<semaphore_mem>>
    %dma_wait3A_397 = tpu.memref_squeeze %dma_wait3A_396 : memref<1x!tpu.dma_semaphore, #tpu.memory_space<semaphore_mem>> -> memref<!tpu.dma_semaphore, #tpu.memory_space<semaphore_mem>>
    tpu.wait_indirect_dma semaphore(%dma_wait3A_397 : memref<!tpu.dma_semaphore, #tpu.memory_space<semaphore_mem>>) src(%dma_wait3A_395 : memref<1000000x64xf32, #tpu.memory_space<hbm>>) dst(%dma_wait3A_389 : memref<800x64xf32, #tpu.memory_space<vmem>>)
    %add3A_398 = arith.constant 2400 : i32
    %add3A_399 = arith.addi %mul3A_2, %add3A_398 : i32
    %dma_start3A_400 = arith.constant 1 : i32
    %dma_start3A_401 = arith.constant 1 : i32
    %dma_start3A_402 = arith.constant 0 : i32
    %dma_start3A_403 = arith.constant 0 : i32
    %dma_start3A_404 = tpu.memref_slice %arg6[%dma_start3A_400, %dma_start3A_402, %dma_start3A_403] : memref<2x800x64xf32, #tpu.memory_space<vmem>> -> memref<1x800x64xf32, #tpu.memory_space<vmem>>
    %dma_start3A_405 = tpu.memref_squeeze %dma_start3A_404 : memref<1x800x64xf32, #tpu.memory_space<vmem>> -> memref<800x64xf32, #tpu.memory_space<vmem>>
    %dma_start3A_406 = arith.constant 0 : i32
    %dma_start3A_407 = tpu.memref_slice %arg4[%add3A_399, %dma_start3A_406] : memref<204800x64xf32, #tpu.memory_space<hbm>> -> memref<800x64xf32, #tpu.memory_space<hbm>>
    %dma_start3A_408 = tpu.memref_slice %arg9[%dma_start3A_401] : memref<2x!tpu.dma_semaphore, #tpu.memory_space<semaphore_mem>> -> memref<1x!tpu.dma_semaphore, #tpu.memory_space<semaphore_mem>>
    %dma_start3A_409 = tpu.memref_squeeze %dma_start3A_408 : memref<1x!tpu.dma_semaphore, #tpu.memory_space<semaphore_mem>> -> memref<!tpu.dma_semaphore, #tpu.memory_space<semaphore_mem>>
    %dma_start3A_410 = arith.constant 0 : i32
    %dma_start3A_411 = tpu.memref_slice %arg4[%add3A_399, %dma_start3A_410] : memref<204800x64xf32, #tpu.memory_space<hbm>> -> memref<800x64xf32, #tpu.memory_space<hbm>>
    %dma_start3A_412 = arith.constant 0 : i32
    %dma_start3A_413 = arith.constant 0 : i32
    %dma_start3A_414 = tpu.memref_slice %arg6[%dma_start3A_400, %dma_start3A_412, %dma_start3A_413] : memref<2x800x64xf32, #tpu.memory_space<vmem>> -> memref<1x800x64xf32, #tpu.memory_space<vmem>>
    %dma_start3A_415 = tpu.memref_squeeze %dma_start3A_414 : memref<1x800x64xf32, #tpu.memory_space<vmem>> -> memref<800x64xf32, #tpu.memory_space<vmem>>
    tpu.enqueue_dma source(%dma_start3A_415 : memref<800x64xf32, #tpu.memory_space<vmem>>) target(%dma_start3A_411 : memref<800x64xf32, #tpu.memory_space<hbm>>) target_semaphore(%dma_start3A_409 : memref<!tpu.dma_semaphore, #tpu.memory_space<semaphore_mem>>)
    %dma_wait3A_416 = arith.constant 1 : i32
    %dma_wait3A_417 = arith.constant 1 : i32
    %dma_wait3A_418 = arith.constant 0 : i32
    %dma_wait3A_419 = arith.constant 0 : i32
    %dma_wait3A_420 = tpu.memref_slice %arg6[%dma_wait3A_416, %dma_wait3A_418, %dma_wait3A_419] : memref<2x800x64xf32, #tpu.memory_space<vmem>> -> memref<1x800x64xf32, #tpu.memory_space<vmem>>
    %dma_wait3A_421 = tpu.memref_squeeze %dma_wait3A_420 : memref<1x800x64xf32, #tpu.memory_space<vmem>> -> memref<800x64xf32, #tpu.memory_space<vmem>>
    %dma_wait3A_422 = arith.constant 0 : i32
    %dma_wait3A_423 = tpu.memref_slice %arg4[%add3A_399, %dma_wait3A_422] : memref<204800x64xf32, #tpu.memory_space<hbm>> -> memref<800x64xf32, #tpu.memory_space<hbm>>
    %dma_wait3A_424 = tpu.memref_slice %arg9[%dma_wait3A_417] : memref<2x!tpu.dma_semaphore, #tpu.memory_space<semaphore_mem>> -> memref<1x!tpu.dma_semaphore, #tpu.memory_space<semaphore_mem>>
    %dma_wait3A_425 = tpu.memref_squeeze %dma_wait3A_424 : memref<1x!tpu.dma_semaphore, #tpu.memory_space<semaphore_mem>> -> memref<!tpu.dma_semaphore, #tpu.memory_space<semaphore_mem>>
    %dma_wait3A_426 = arith.constant 0 : i32
    %dma_wait3A_427 = tpu.memref_slice %arg4[%add3A_399, %dma_wait3A_426] : memref<204800x64xf32, #tpu.memory_space<hbm>> -> memref<800x64xf32, #tpu.memory_space<hbm>>
    %dma_wait3A_428 = arith.constant 0 : i32
    %dma_wait3A_429 = arith.constant 0 : i32
    %dma_wait3A_430 = tpu.memref_slice %arg6[%dma_wait3A_416, %dma_wait3A_428, %dma_wait3A_429] : memref<2x800x64xf32, #tpu.memory_space<vmem>> -> memref<1x800x64xf32, #tpu.memory_space<vmem>>
    %dma_wait3A_431 = tpu.memref_squeeze %dma_wait3A_430 : memref<1x800x64xf32, #tpu.memory_space<vmem>> -> memref<800x64xf32, #tpu.memory_space<vmem>>
    tpu.wait_dma2 semaphore(%dma_wait3A_425 : memref<!tpu.dma_semaphore, #tpu.memory_space<semaphore_mem>>) src(%dma_wait3A_431 : memref<800x64xf32, #tpu.memory_space<vmem>>) dst(%dma_wait3A_427 : memref<800x64xf32, #tpu.memory_space<hbm>>)
    %dma_start3A_432 = arith.constant 5 : i32
    %dma_start3A_433 = arith.constant 1 : i32
    %dma_start3A_434 = arith.constant 1 : i32
    %dma_start3A_435 = arith.constant 0 : i32
    %dma_start3A_436 = arith.constant 0 : i32
    %dma_start3A_437 = tpu.memref_slice %arg6[%dma_start3A_433, %dma_start3A_435, %dma_start3A_436] : memref<2x800x64xf32, #tpu.memory_space<vmem>> -> memref<1x800x64xf32, #tpu.memory_space<vmem>>
    %dma_start3A_438 = tpu.memref_squeeze %dma_start3A_437 : memref<1x800x64xf32, #tpu.memory_space<vmem>> -> memref<800x64xf32, #tpu.memory_space<vmem>>
    %dma_start3A_439 = arith.constant 0 : i32
    %dma_start3A_440 = tpu.memref_slice %arg5[%dma_start3A_432, %dma_start3A_439] : memref<8x800xi32, #tpu.memory_space<vmem>> -> memref<1x800xi32, #tpu.memory_space<vmem>>
    %dma_start3A_441 = tpu.memref_squeeze %dma_start3A_440 : memref<1x800xi32, #tpu.memory_space<vmem>> -> memref<800xi32, #tpu.memory_space<vmem>>
    %dma_start3A_442 = arith.constant 0 : i32
    %dma_start3A_443 = arith.constant 0 : i32
    %dma_start3A_444 = tpu.memref_slice %arg3[%dma_start3A_442, %dma_start3A_443] : memref<1000000x64xf32, #tpu.memory_space<hbm>> -> memref<1000000x64xf32, #tpu.memory_space<hbm>>
    %dma_start3A_445 = tpu.memref_slice %arg8[%dma_start3A_434] : memref<2x!tpu.dma_semaphore, #tpu.memory_space<semaphore_mem>> -> memref<1x!tpu.dma_semaphore, #tpu.memory_space<semaphore_mem>>
    %dma_start3A_446 = tpu.memref_squeeze %dma_start3A_445 : memref<1x!tpu.dma_semaphore, #tpu.memory_space<semaphore_mem>> -> memref<!tpu.dma_semaphore, #tpu.memory_space<semaphore_mem>>
    tpu.enqueue_indirect_dma source(%dma_start3A_444 : memref<1000000x64xf32, #tpu.memory_space<hbm>>) target(%dma_start3A_438 : memref<800x64xf32, #tpu.memory_space<vmem>>) offsets(%dma_start3A_441 : memref<800xi32, #tpu.memory_space<vmem>>) semaphore(%dma_start3A_446 : memref<!tpu.dma_semaphore, #tpu.memory_space<semaphore_mem>>)
    %dma_wait3A_447 = arith.constant 4 : i32
    %dma_wait3A_448 = arith.constant 0 : i32
    %dma_wait3A_449 = arith.constant 0 : i32
    %dma_wait3A_450 = arith.constant 0 : i32
    %dma_wait3A_451 = arith.constant 0 : i32
    %dma_wait3A_452 = tpu.memref_slice %arg6[%dma_wait3A_448, %dma_wait3A_450, %dma_wait3A_451] : memref<2x800x64xf32, #tpu.memory_space<vmem>> -> memref<1x800x64xf32, #tpu.memory_space<vmem>>
    %dma_wait3A_453 = tpu.memref_squeeze %dma_wait3A_452 : memref<1x800x64xf32, #tpu.memory_space<vmem>> -> memref<800x64xf32, #tpu.memory_space<vmem>>
    %dma_wait3A_454 = arith.constant 0 : i32
    %dma_wait3A_455 = tpu.memref_slice %arg5[%dma_wait3A_447, %dma_wait3A_454] : memref<8x800xi32, #tpu.memory_space<vmem>> -> memref<1x800xi32, #tpu.memory_space<vmem>>
    %dma_wait3A_456 = tpu.memref_squeeze %dma_wait3A_455 : memref<1x800xi32, #tpu.memory_space<vmem>> -> memref<800xi32, #tpu.memory_space<vmem>>
    %dma_wait3A_457 = arith.constant 0 : i32
    %dma_wait3A_458 = arith.constant 0 : i32
    %dma_wait3A_459 = tpu.memref_slice %arg3[%dma_wait3A_457, %dma_wait3A_458] : memref<1000000x64xf32, #tpu.memory_space<hbm>> -> memref<1000000x64xf32, #tpu.memory_space<hbm>>
    %dma_wait3A_460 = tpu.memref_slice %arg8[%dma_wait3A_449] : memref<2x!tpu.dma_semaphore, #tpu.memory_space<semaphore_mem>> -> memref<1x!tpu.dma_semaphore, #tpu.memory_space<semaphore_mem>>
    %dma_wait3A_461 = tpu.memref_squeeze %dma_wait3A_460 : memref<1x!tpu.dma_semaphore, #tpu.memory_space<semaphore_mem>> -> memref<!tpu.dma_semaphore, #tpu.memory_space<semaphore_mem>>
    tpu.wait_indirect_dma semaphore(%dma_wait3A_461 : memref<!tpu.dma_semaphore, #tpu.memory_space<semaphore_mem>>) src(%dma_wait3A_459 : memref<1000000x64xf32, #tpu.memory_space<hbm>>) dst(%dma_wait3A_453 : memref<800x64xf32, #tpu.memory_space<vmem>>)
    %add3A_462 = arith.constant 3200 : i32
    %add3A_463 = arith.addi %mul3A_2, %add3A_462 : i32
    %dma_start3A_464 = arith.constant 0 : i32
    %dma_start3A_465 = arith.constant 0 : i32
    %dma_start3A_466 = arith.constant 0 : i32
    %dma_start3A_467 = arith.constant 0 : i32
    %dma_start3A_468 = tpu.memref_slice %arg6[%dma_start3A_464, %dma_start3A_466, %dma_start3A_467] : memref<2x800x64xf32, #tpu.memory_space<vmem>> -> memref<1x800x64xf32, #tpu.memory_space<vmem>>
    %dma_start3A_469 = tpu.memref_squeeze %dma_start3A_468 : memref<1x800x64xf32, #tpu.memory_space<vmem>> -> memref<800x64xf32, #tpu.memory_space<vmem>>
    %dma_start3A_470 = arith.constant 0 : i32
    %dma_start3A_471 = tpu.memref_slice %arg4[%add3A_463, %dma_start3A_470] : memref<204800x64xf32, #tpu.memory_space<hbm>> -> memref<800x64xf32, #tpu.memory_space<hbm>>
    %dma_start3A_472 = tpu.memref_slice %arg9[%dma_start3A_465] : memref<2x!tpu.dma_semaphore, #tpu.memory_space<semaphore_mem>> -> memref<1x!tpu.dma_semaphore, #tpu.memory_space<semaphore_mem>>
    %dma_start3A_473 = tpu.memref_squeeze %dma_start3A_472 : memref<1x!tpu.dma_semaphore, #tpu.memory_space<semaphore_mem>> -> memref<!tpu.dma_semaphore, #tpu.memory_space<semaphore_mem>>
    %dma_start3A_474 = arith.constant 0 : i32
    %dma_start3A_475 = tpu.memref_slice %arg4[%add3A_463, %dma_start3A_474] : memref<204800x64xf32, #tpu.memory_space<hbm>> -> memref<800x64xf32, #tpu.memory_space<hbm>>
    %dma_start3A_476 = arith.constant 0 : i32
    %dma_start3A_477 = arith.constant 0 : i32
    %dma_start3A_478 = tpu.memref_slice %arg6[%dma_start3A_464, %dma_start3A_476, %dma_start3A_477] : memref<2x800x64xf32, #tpu.memory_space<vmem>> -> memref<1x800x64xf32, #tpu.memory_space<vmem>>
    %dma_start3A_479 = tpu.memref_squeeze %dma_start3A_478 : memref<1x800x64xf32, #tpu.memory_space<vmem>> -> memref<800x64xf32, #tpu.memory_space<vmem>>
    tpu.enqueue_dma source(%dma_start3A_479 : memref<800x64xf32, #tpu.memory_space<vmem>>) target(%dma_start3A_475 : memref<800x64xf32, #tpu.memory_space<hbm>>) target_semaphore(%dma_start3A_473 : memref<!tpu.dma_semaphore, #tpu.memory_space<semaphore_mem>>)
    %dma_wait3A_480 = arith.constant 0 : i32
    %dma_wait3A_481 = arith.constant 0 : i32
    %dma_wait3A_482 = arith.constant 0 : i32
    %dma_wait3A_483 = arith.constant 0 : i32
    %dma_wait3A_484 = tpu.memref_slice %arg6[%dma_wait3A_480, %dma_wait3A_482, %dma_wait3A_483] : memref<2x800x64xf32, #tpu.memory_space<vmem>> -> memref<1x800x64xf32, #tpu.memory_space<vmem>>
    %dma_wait3A_485 = tpu.memref_squeeze %dma_wait3A_484 : memref<1x800x64xf32, #tpu.memory_space<vmem>> -> memref<800x64xf32, #tpu.memory_space<vmem>>
    %dma_wait3A_486 = arith.constant 0 : i32
    %dma_wait3A_487 = tpu.memref_slice %arg4[%add3A_463, %dma_wait3A_486] : memref<204800x64xf32, #tpu.memory_space<hbm>> -> memref<800x64xf32, #tpu.memory_space<hbm>>
    %dma_wait3A_488 = tpu.memref_slice %arg9[%dma_wait3A_481] : memref<2x!tpu.dma_semaphore, #tpu.memory_space<semaphore_mem>> -> memref<1x!tpu.dma_semaphore, #tpu.memory_space<semaphore_mem>>
    %dma_wait3A_489 = tpu.memref_squeeze %dma_wait3A_488 : memref<1x!tpu.dma_semaphore, #tpu.memory_space<semaphore_mem>> -> memref<!tpu.dma_semaphore, #tpu.memory_space<semaphore_mem>>
    %dma_wait3A_490 = arith.constant 0 : i32
    %dma_wait3A_491 = tpu.memref_slice %arg4[%add3A_463, %dma_wait3A_490] : memref<204800x64xf32, #tpu.memory_space<hbm>> -> memref<800x64xf32, #tpu.memory_space<hbm>>
    %dma_wait3A_492 = arith.constant 0 : i32
    %dma_wait3A_493 = arith.constant 0 : i32
    %dma_wait3A_494 = tpu.memref_slice %arg6[%dma_wait3A_480, %dma_wait3A_492, %dma_wait3A_493] : memref<2x800x64xf32, #tpu.memory_space<vmem>> -> memref<1x800x64xf32, #tpu.memory_space<vmem>>
    %dma_wait3A_495 = tpu.memref_squeeze %dma_wait3A_494 : memref<1x800x64xf32, #tpu.memory_space<vmem>> -> memref<800x64xf32, #tpu.memory_space<vmem>>
    tpu.wait_dma2 semaphore(%dma_wait3A_489 : memref<!tpu.dma_semaphore, #tpu.memory_space<semaphore_mem>>) src(%dma_wait3A_495 : memref<800x64xf32, #tpu.memory_space<vmem>>) dst(%dma_wait3A_491 : memref<800x64xf32, #tpu.memory_space<hbm>>)
    %dma_start3A_496 = arith.constant 6 : i32
    %dma_start3A_497 = arith.constant 0 : i32
    %dma_start3A_498 = arith.constant 0 : i32
    %dma_start3A_499 = arith.constant 0 : i32
    %dma_start3A_500 = arith.constant 0 : i32
    %dma_start3A_501 = tpu.memref_slice %arg6[%dma_start3A_497, %dma_start3A_499, %dma_start3A_500] : memref<2x800x64xf32, #tpu.memory_space<vmem>> -> memref<1x800x64xf32, #tpu.memory_space<vmem>>
    %dma_start3A_502 = tpu.memref_squeeze %dma_start3A_501 : memref<1x800x64xf32, #tpu.memory_space<vmem>> -> memref<800x64xf32, #tpu.memory_space<vmem>>
    %dma_start3A_503 = arith.constant 0 : i32
    %dma_start3A_504 = tpu.memref_slice %arg5[%dma_start3A_496, %dma_start3A_503] : memref<8x800xi32, #tpu.memory_space<vmem>> -> memref<1x800xi32, #tpu.memory_space<vmem>>
    %dma_start3A_505 = tpu.memref_squeeze %dma_start3A_504 : memref<1x800xi32, #tpu.memory_space<vmem>> -> memref<800xi32, #tpu.memory_space<vmem>>
    %dma_start3A_506 = arith.constant 0 : i32
    %dma_start3A_507 = arith.constant 0 : i32
    %dma_start3A_508 = tpu.memref_slice %arg3[%dma_start3A_506, %dma_start3A_507] : memref<1000000x64xf32, #tpu.memory_space<hbm>> -> memref<1000000x64xf32, #tpu.memory_space<hbm>>
    %dma_start3A_509 = tpu.memref_slice %arg8[%dma_start3A_498] : memref<2x!tpu.dma_semaphore, #tpu.memory_space<semaphore_mem>> -> memref<1x!tpu.dma_semaphore, #tpu.memory_space<semaphore_mem>>
    %dma_start3A_510 = tpu.memref_squeeze %dma_start3A_509 : memref<1x!tpu.dma_semaphore, #tpu.memory_space<semaphore_mem>> -> memref<!tpu.dma_semaphore, #tpu.memory_space<semaphore_mem>>
    tpu.enqueue_indirect_dma source(%dma_start3A_508 : memref<1000000x64xf32, #tpu.memory_space<hbm>>) target(%dma_start3A_502 : memref<800x64xf32, #tpu.memory_space<vmem>>) offsets(%dma_start3A_505 : memref<800xi32, #tpu.memory_space<vmem>>) semaphore(%dma_start3A_510 : memref<!tpu.dma_semaphore, #tpu.memory_space<semaphore_mem>>)
    %dma_wait3A_511 = arith.constant 5 : i32
    %dma_wait3A_512 = arith.constant 1 : i32
    %dma_wait3A_513 = arith.constant 1 : i32
    %dma_wait3A_514 = arith.constant 0 : i32
    %dma_wait3A_515 = arith.constant 0 : i32
    %dma_wait3A_516 = tpu.memref_slice %arg6[%dma_wait3A_512, %dma_wait3A_514, %dma_wait3A_515] : memref<2x800x64xf32, #tpu.memory_space<vmem>> -> memref<1x800x64xf32, #tpu.memory_space<vmem>>
    %dma_wait3A_517 = tpu.memref_squeeze %dma_wait3A_516 : memref<1x800x64xf32, #tpu.memory_space<vmem>> -> memref<800x64xf32, #tpu.memory_space<vmem>>
    %dma_wait3A_518 = arith.constant 0 : i32
    %dma_wait3A_519 = tpu.memref_slice %arg5[%dma_wait3A_511, %dma_wait3A_518] : memref<8x800xi32, #tpu.memory_space<vmem>> -> memref<1x800xi32, #tpu.memory_space<vmem>>
    %dma_wait3A_520 = tpu.memref_squeeze %dma_wait3A_519 : memref<1x800xi32, #tpu.memory_space<vmem>> -> memref<800xi32, #tpu.memory_space<vmem>>
    %dma_wait3A_521 = arith.constant 0 : i32
    %dma_wait3A_522 = arith.constant 0 : i32
    %dma_wait3A_523 = tpu.memref_slice %arg3[%dma_wait3A_521, %dma_wait3A_522] : memref<1000000x64xf32, #tpu.memory_space<hbm>> -> memref<1000000x64xf32, #tpu.memory_space<hbm>>
    %dma_wait3A_524 = tpu.memref_slice %arg8[%dma_wait3A_513] : memref<2x!tpu.dma_semaphore, #tpu.memory_space<semaphore_mem>> -> memref<1x!tpu.dma_semaphore, #tpu.memory_space<semaphore_mem>>
    %dma_wait3A_525 = tpu.memref_squeeze %dma_wait3A_524 : memref<1x!tpu.dma_semaphore, #tpu.memory_space<semaphore_mem>> -> memref<!tpu.dma_semaphore, #tpu.memory_space<semaphore_mem>>
    tpu.wait_indirect_dma semaphore(%dma_wait3A_525 : memref<!tpu.dma_semaphore, #tpu.memory_space<semaphore_mem>>) src(%dma_wait3A_523 : memref<1000000x64xf32, #tpu.memory_space<hbm>>) dst(%dma_wait3A_517 : memref<800x64xf32, #tpu.memory_space<vmem>>)
    %add3A_526 = arith.constant 4000 : i32
    %add3A_527 = arith.addi %mul3A_2, %add3A_526 : i32
    %dma_start3A_528 = arith.constant 1 : i32
    %dma_start3A_529 = arith.constant 1 : i32
    %dma_start3A_530 = arith.constant 0 : i32
    %dma_start3A_531 = arith.constant 0 : i32
    %dma_start3A_532 = tpu.memref_slice %arg6[%dma_start3A_528, %dma_start3A_530, %dma_start3A_531] : memref<2x800x64xf32, #tpu.memory_space<vmem>> -> memref<1x800x64xf32, #tpu.memory_space<vmem>>
    %dma_start3A_533 = tpu.memref_squeeze %dma_start3A_532 : memref<1x800x64xf32, #tpu.memory_space<vmem>> -> memref<800x64xf32, #tpu.memory_space<vmem>>
    %dma_start3A_534 = arith.constant 0 : i32
    %dma_start3A_535 = tpu.memref_slice %arg4[%add3A_527, %dma_start3A_534] : memref<204800x64xf32, #tpu.memory_space<hbm>> -> memref<800x64xf32, #tpu.memory_space<hbm>>
    %dma_start3A_536 = tpu.memref_slice %arg9[%dma_start3A_529] : memref<2x!tpu.dma_semaphore, #tpu.memory_space<semaphore_mem>> -> memref<1x!tpu.dma_semaphore, #tpu.memory_space<semaphore_mem>>
    %dma_start3A_537 = tpu.memref_squeeze %dma_start3A_536 : memref<1x!tpu.dma_semaphore, #tpu.memory_space<semaphore_mem>> -> memref<!tpu.dma_semaphore, #tpu.memory_space<semaphore_mem>>
    %dma_start3A_538 = arith.constant 0 : i32
    %dma_start3A_539 = tpu.memref_slice %arg4[%add3A_527, %dma_start3A_538] : memref<204800x64xf32, #tpu.memory_space<hbm>> -> memref<800x64xf32, #tpu.memory_space<hbm>>
    %dma_start3A_540 = arith.constant 0 : i32
    %dma_start3A_541 = arith.constant 0 : i32
    %dma_start3A_542 = tpu.memref_slice %arg6[%dma_start3A_528, %dma_start3A_540, %dma_start3A_541] : memref<2x800x64xf32, #tpu.memory_space<vmem>> -> memref<1x800x64xf32, #tpu.memory_space<vmem>>
    %dma_start3A_543 = tpu.memref_squeeze %dma_start3A_542 : memref<1x800x64xf32, #tpu.memory_space<vmem>> -> memref<800x64xf32, #tpu.memory_space<vmem>>
    tpu.enqueue_dma source(%dma_start3A_543 : memref<800x64xf32, #tpu.memory_space<vmem>>) target(%dma_start3A_539 : memref<800x64xf32, #tpu.memory_space<hbm>>) target_semaphore(%dma_start3A_537 : memref<!tpu.dma_semaphore, #tpu.memory_space<semaphore_mem>>)
    %dma_wait3A_544 = arith.constant 1 : i32
    %dma_wait3A_545 = arith.constant 1 : i32
    %dma_wait3A_546 = arith.constant 0 : i32
    %dma_wait3A_547 = arith.constant 0 : i32
    %dma_wait3A_548 = tpu.memref_slice %arg6[%dma_wait3A_544, %dma_wait3A_546, %dma_wait3A_547] : memref<2x800x64xf32, #tpu.memory_space<vmem>> -> memref<1x800x64xf32, #tpu.memory_space<vmem>>
    %dma_wait3A_549 = tpu.memref_squeeze %dma_wait3A_548 : memref<1x800x64xf32, #tpu.memory_space<vmem>> -> memref<800x64xf32, #tpu.memory_space<vmem>>
    %dma_wait3A_550 = arith.constant 0 : i32
    %dma_wait3A_551 = tpu.memref_slice %arg4[%add3A_527, %dma_wait3A_550] : memref<204800x64xf32, #tpu.memory_space<hbm>> -> memref<800x64xf32, #tpu.memory_space<hbm>>
    %dma_wait3A_552 = tpu.memref_slice %arg9[%dma_wait3A_545] : memref<2x!tpu.dma_semaphore, #tpu.memory_space<semaphore_mem>> -> memref<1x!tpu.dma_semaphore, #tpu.memory_space<semaphore_mem>>
    %dma_wait3A_553 = tpu.memref_squeeze %dma_wait3A_552 : memref<1x!tpu.dma_semaphore, #tpu.memory_space<semaphore_mem>> -> memref<!tpu.dma_semaphore, #tpu.memory_space<semaphore_mem>>
    %dma_wait3A_554 = arith.constant 0 : i32
    %dma_wait3A_555 = tpu.memref_slice %arg4[%add3A_527, %dma_wait3A_554] : memref<204800x64xf32, #tpu.memory_space<hbm>> -> memref<800x64xf32, #tpu.memory_space<hbm>>
    %dma_wait3A_556 = arith.constant 0 : i32
    %dma_wait3A_557 = arith.constant 0 : i32
    %dma_wait3A_558 = tpu.memref_slice %arg6[%dma_wait3A_544, %dma_wait3A_556, %dma_wait3A_557] : memref<2x800x64xf32, #tpu.memory_space<vmem>> -> memref<1x800x64xf32, #tpu.memory_space<vmem>>
    %dma_wait3A_559 = tpu.memref_squeeze %dma_wait3A_558 : memref<1x800x64xf32, #tpu.memory_space<vmem>> -> memref<800x64xf32, #tpu.memory_space<vmem>>
    tpu.wait_dma2 semaphore(%dma_wait3A_553 : memref<!tpu.dma_semaphore, #tpu.memory_space<semaphore_mem>>) src(%dma_wait3A_559 : memref<800x64xf32, #tpu.memory_space<vmem>>) dst(%dma_wait3A_555 : memref<800x64xf32, #tpu.memory_space<hbm>>)
    %dma_start3A_560 = arith.constant 7 : i32
    %dma_start3A_561 = arith.constant 1 : i32
    %dma_start3A_562 = arith.constant 1 : i32
    %dma_start3A_563 = arith.constant 0 : i32
    %dma_start3A_564 = arith.constant 0 : i32
    %dma_start3A_565 = tpu.memref_slice %arg6[%dma_start3A_561, %dma_start3A_563, %dma_start3A_564] : memref<2x800x64xf32, #tpu.memory_space<vmem>> -> memref<1x800x64xf32, #tpu.memory_space<vmem>>
    %dma_start3A_566 = tpu.memref_squeeze %dma_start3A_565 : memref<1x800x64xf32, #tpu.memory_space<vmem>> -> memref<800x64xf32, #tpu.memory_space<vmem>>
    %dma_start3A_567 = arith.constant 0 : i32
    %dma_start3A_568 = tpu.memref_slice %arg5[%dma_start3A_560, %dma_start3A_567] : memref<8x800xi32, #tpu.memory_space<vmem>> -> memref<1x800xi32, #tpu.memory_space<vmem>>
    %dma_start3A_569 = tpu.memref_squeeze %dma_start3A_568 : memref<1x800xi32, #tpu.memory_space<vmem>> -> memref<800xi32, #tpu.memory_space<vmem>>
    %dma_start3A_570 = arith.constant 0 : i32
    %dma_start3A_571 = arith.constant 0 : i32
    %dma_start3A_572 = tpu.memref_slice %arg3[%dma_start3A_570, %dma_start3A_571] : memref<1000000x64xf32, #tpu.memory_space<hbm>> -> memref<1000000x64xf32, #tpu.memory_space<hbm>>
    %dma_start3A_573 = tpu.memref_slice %arg8[%dma_start3A_562] : memref<2x!tpu.dma_semaphore, #tpu.memory_space<semaphore_mem>> -> memref<1x!tpu.dma_semaphore, #tpu.memory_space<semaphore_mem>>
    %dma_start3A_574 = tpu.memref_squeeze %dma_start3A_573 : memref<1x!tpu.dma_semaphore, #tpu.memory_space<semaphore_mem>> -> memref<!tpu.dma_semaphore, #tpu.memory_space<semaphore_mem>>
    tpu.enqueue_indirect_dma source(%dma_start3A_572 : memref<1000000x64xf32, #tpu.memory_space<hbm>>) target(%dma_start3A_566 : memref<800x64xf32, #tpu.memory_space<vmem>>) offsets(%dma_start3A_569 : memref<800xi32, #tpu.memory_space<vmem>>) semaphore(%dma_start3A_574 : memref<!tpu.dma_semaphore, #tpu.memory_space<semaphore_mem>>)
    %dma_wait3A_575 = arith.constant 6 : i32
    %dma_wait3A_576 = arith.constant 0 : i32
    %dma_wait3A_577 = arith.constant 0 : i32
    %dma_wait3A_578 = arith.constant 0 : i32
    %dma_wait3A_579 = arith.constant 0 : i32
    %dma_wait3A_580 = tpu.memref_slice %arg6[%dma_wait3A_576, %dma_wait3A_578, %dma_wait3A_579] : memref<2x800x64xf32, #tpu.memory_space<vmem>> -> memref<1x800x64xf32, #tpu.memory_space<vmem>>
    %dma_wait3A_581 = tpu.memref_squeeze %dma_wait3A_580 : memref<1x800x64xf32, #tpu.memory_space<vmem>> -> memref<800x64xf32, #tpu.memory_space<vmem>>
    %dma_wait3A_582 = arith.constant 0 : i32
    %dma_wait3A_583 = tpu.memref_slice %arg5[%dma_wait3A_575, %dma_wait3A_582] : memref<8x800xi32, #tpu.memory_space<vmem>> -> memref<1x800xi32, #tpu.memory_space<vmem>>
    %dma_wait3A_584 = tpu.memref_squeeze %dma_wait3A_583 : memref<1x800xi32, #tpu.memory_space<vmem>> -> memref<800xi32, #tpu.memory_space<vmem>>
    %dma_wait3A_585 = arith.constant 0 : i32
    %dma_wait3A_586 = arith.constant 0 : i32
    %dma_wait3A_587 = tpu.memref_slice %arg3[%dma_wait3A_585, %dma_wait3A_586] : memref<1000000x64xf32, #tpu.memory_space<hbm>> -> memref<1000000x64xf32, #tpu.memory_space<hbm>>
    %dma_wait3A_588 = tpu.memref_slice %arg8[%dma_wait3A_577] : memref<2x!tpu.dma_semaphore, #tpu.memory_space<semaphore_mem>> -> memref<1x!tpu.dma_semaphore, #tpu.memory_space<semaphore_mem>>
    %dma_wait3A_589 = tpu.memref_squeeze %dma_wait3A_588 : memref<1x!tpu.dma_semaphore, #tpu.memory_space<semaphore_mem>> -> memref<!tpu.dma_semaphore, #tpu.memory_space<semaphore_mem>>
    tpu.wait_indirect_dma semaphore(%dma_wait3A_589 : memref<!tpu.dma_semaphore, #tpu.memory_space<semaphore_mem>>) src(%dma_wait3A_587 : memref<1000000x64xf32, #tpu.memory_space<hbm>>) dst(%dma_wait3A_581 : memref<800x64xf32, #tpu.memory_space<vmem>>)
    %add3A_590 = arith.constant 4800 : i32
    %add3A_591 = arith.addi %mul3A_2, %add3A_590 : i32
    %dma_start3A_592 = arith.constant 0 : i32
    %dma_start3A_593 = arith.constant 0 : i32
    %dma_start3A_594 = arith.constant 0 : i32
    %dma_start3A_595 = arith.constant 0 : i32
    %dma_start3A_596 = tpu.memref_slice %arg6[%dma_start3A_592, %dma_start3A_594, %dma_start3A_595] : memref<2x800x64xf32, #tpu.memory_space<vmem>> -> memref<1x800x64xf32, #tpu.memory_space<vmem>>
    %dma_start3A_597 = tpu.memref_squeeze %dma_start3A_596 : memref<1x800x64xf32, #tpu.memory_space<vmem>> -> memref<800x64xf32, #tpu.memory_space<vmem>>
    %dma_start3A_598 = arith.constant 0 : i32
    %dma_start3A_599 = tpu.memref_slice %arg4[%add3A_591, %dma_start3A_598] : memref<204800x64xf32, #tpu.memory_space<hbm>> -> memref<800x64xf32, #tpu.memory_space<hbm>>
    %dma_start3A_600 = tpu.memref_slice %arg9[%dma_start3A_593] : memref<2x!tpu.dma_semaphore, #tpu.memory_space<semaphore_mem>> -> memref<1x!tpu.dma_semaphore, #tpu.memory_space<semaphore_mem>>
    %dma_start3A_601 = tpu.memref_squeeze %dma_start3A_600 : memref<1x!tpu.dma_semaphore, #tpu.memory_space<semaphore_mem>> -> memref<!tpu.dma_semaphore, #tpu.memory_space<semaphore_mem>>
    %dma_start3A_602 = arith.constant 0 : i32
    %dma_start3A_603 = tpu.memref_slice %arg4[%add3A_591, %dma_start3A_602] : memref<204800x64xf32, #tpu.memory_space<hbm>> -> memref<800x64xf32, #tpu.memory_space<hbm>>
    %dma_start3A_604 = arith.constant 0 : i32
    %dma_start3A_605 = arith.constant 0 : i32
    %dma_start3A_606 = tpu.memref_slice %arg6[%dma_start3A_592, %dma_start3A_604, %dma_start3A_605] : memref<2x800x64xf32, #tpu.memory_space<vmem>> -> memref<1x800x64xf32, #tpu.memory_space<vmem>>
    %dma_start3A_607 = tpu.memref_squeeze %dma_start3A_606 : memref<1x800x64xf32, #tpu.memory_space<vmem>> -> memref<800x64xf32, #tpu.memory_space<vmem>>
    tpu.enqueue_dma source(%dma_start3A_607 : memref<800x64xf32, #tpu.memory_space<vmem>>) target(%dma_start3A_603 : memref<800x64xf32, #tpu.memory_space<hbm>>) target_semaphore(%dma_start3A_601 : memref<!tpu.dma_semaphore, #tpu.memory_space<semaphore_mem>>)
    %dma_wait3A_608 = arith.constant 7 : i32
    %dma_wait3A_609 = arith.constant 1 : i32
    %dma_wait3A_610 = arith.constant 1 : i32
    %dma_wait3A_611 = arith.constant 0 : i32
    %dma_wait3A_612 = arith.constant 0 : i32
    %dma_wait3A_613 = tpu.memref_slice %arg6[%dma_wait3A_609, %dma_wait3A_611, %dma_wait3A_612] : memref<2x800x64xf32, #tpu.memory_space<vmem>> -> memref<1x800x64xf32, #tpu.memory_space<vmem>>
    %dma_wait3A_614 = tpu.memref_squeeze %dma_wait3A_613 : memref<1x800x64xf32, #tpu.memory_space<vmem>> -> memref<800x64xf32, #tpu.memory_space<vmem>>
    %dma_wait3A_615 = arith.constant 0 : i32
    %dma_wait3A_616 = tpu.memref_slice %arg5[%dma_wait3A_608, %dma_wait3A_615] : memref<8x800xi32, #tpu.memory_space<vmem>> -> memref<1x800xi32, #tpu.memory_space<vmem>>
    %dma_wait3A_617 = tpu.memref_squeeze %dma_wait3A_616 : memref<1x800xi32, #tpu.memory_space<vmem>> -> memref<800xi32, #tpu.memory_space<vmem>>
    %dma_wait3A_618 = arith.constant 0 : i32
    %dma_wait3A_619 = arith.constant 0 : i32
    %dma_wait3A_620 = tpu.memref_slice %arg3[%dma_wait3A_618, %dma_wait3A_619] : memref<1000000x64xf32, #tpu.memory_space<hbm>> -> memref<1000000x64xf32, #tpu.memory_space<hbm>>
    %dma_wait3A_621 = tpu.memref_slice %arg8[%dma_wait3A_610] : memref<2x!tpu.dma_semaphore, #tpu.memory_space<semaphore_mem>> -> memref<1x!tpu.dma_semaphore, #tpu.memory_space<semaphore_mem>>
    %dma_wait3A_622 = tpu.memref_squeeze %dma_wait3A_621 : memref<1x!tpu.dma_semaphore, #tpu.memory_space<semaphore_mem>> -> memref<!tpu.dma_semaphore, #tpu.memory_space<semaphore_mem>>
    tpu.wait_indirect_dma semaphore(%dma_wait3A_622 : memref<!tpu.dma_semaphore, #tpu.memory_space<semaphore_mem>>) src(%dma_wait3A_620 : memref<1000000x64xf32, #tpu.memory_space<hbm>>) dst(%dma_wait3A_614 : memref<800x64xf32, #tpu.memory_space<vmem>>)
    %add3A_623 = arith.constant 5600 : i32
    %add3A_624 = arith.addi %mul3A_2, %add3A_623 : i32
    %dma_start3A_625 = arith.constant 1 : i32
    %dma_start3A_626 = arith.constant 1 : i32
    %dma_start3A_627 = arith.constant 0 : i32
    %dma_start3A_628 = arith.constant 0 : i32
    %dma_start3A_629 = tpu.memref_slice %arg6[%dma_start3A_625, %dma_start3A_627, %dma_start3A_628] : memref<2x800x64xf32, #tpu.memory_space<vmem>> -> memref<1x800x64xf32, #tpu.memory_space<vmem>>
    %dma_start3A_630 = tpu.memref_squeeze %dma_start3A_629 : memref<1x800x64xf32, #tpu.memory_space<vmem>> -> memref<800x64xf32, #tpu.memory_space<vmem>>
    %dma_start3A_631 = arith.constant 0 : i32
    %dma_start3A_632 = tpu.memref_slice %arg4[%add3A_624, %dma_start3A_631] : memref<204800x64xf32, #tpu.memory_space<hbm>> -> memref<800x64xf32, #tpu.memory_space<hbm>>
    %dma_start3A_633 = tpu.memref_slice %arg9[%dma_start3A_626] : memref<2x!tpu.dma_semaphore, #tpu.memory_space<semaphore_mem>> -> memref<1x!tpu.dma_semaphore, #tpu.memory_space<semaphore_mem>>
    %dma_start3A_634 = tpu.memref_squeeze %dma_start3A_633 : memref<1x!tpu.dma_semaphore, #tpu.memory_space<semaphore_mem>> -> memref<!tpu.dma_semaphore, #tpu.memory_space<semaphore_mem>>
    %dma_start3A_635 = arith.constant 0 : i32
    %dma_start3A_636 = tpu.memref_slice %arg4[%add3A_624, %dma_start3A_635] : memref<204800x64xf32, #tpu.memory_space<hbm>> -> memref<800x64xf32, #tpu.memory_space<hbm>>
    %dma_start3A_637 = arith.constant 0 : i32
    %dma_start3A_638 = arith.constant 0 : i32
    %dma_start3A_639 = tpu.memref_slice %arg6[%dma_start3A_625, %dma_start3A_637, %dma_start3A_638] : memref<2x800x64xf32, #tpu.memory_space<vmem>> -> memref<1x800x64xf32, #tpu.memory_space<vmem>>
    %dma_start3A_640 = tpu.memref_squeeze %dma_start3A_639 : memref<1x800x64xf32, #tpu.memory_space<vmem>> -> memref<800x64xf32, #tpu.memory_space<vmem>>
    tpu.enqueue_dma source(%dma_start3A_640 : memref<800x64xf32, #tpu.memory_space<vmem>>) target(%dma_start3A_636 : memref<800x64xf32, #tpu.memory_space<hbm>>) target_semaphore(%dma_start3A_634 : memref<!tpu.dma_semaphore, #tpu.memory_space<semaphore_mem>>)
    %dma_wait3A_641 = arith.constant 0 : i32
    %dma_wait3A_642 = arith.constant 0 : i32
    %dma_wait3A_643 = arith.constant 0 : i32
    %dma_wait3A_644 = arith.constant 0 : i32
    %dma_wait3A_645 = tpu.memref_slice %arg6[%dma_wait3A_641, %dma_wait3A_643, %dma_wait3A_644] : memref<2x800x64xf32, #tpu.memory_space<vmem>> -> memref<1x800x64xf32, #tpu.memory_space<vmem>>
    %dma_wait3A_646 = tpu.memref_squeeze %dma_wait3A_645 : memref<1x800x64xf32, #tpu.memory_space<vmem>> -> memref<800x64xf32, #tpu.memory_space<vmem>>
    %dma_wait3A_647 = arith.constant 0 : i32
    %dma_wait3A_648 = tpu.memref_slice %arg4[%add3A_591, %dma_wait3A_647] : memref<204800x64xf32, #tpu.memory_space<hbm>> -> memref<800x64xf32, #tpu.memory_space<hbm>>
    %dma_wait3A_649 = tpu.memref_slice %arg9[%dma_wait3A_642] : memref<2x!tpu.dma_semaphore, #tpu.memory_space<semaphore_mem>> -> memref<1x!tpu.dma_semaphore, #tpu.memory_space<semaphore_mem>>
    %dma_wait3A_650 = tpu.memref_squeeze %dma_wait3A_649 : memref<1x!tpu.dma_semaphore, #tpu.memory_space<semaphore_mem>> -> memref<!tpu.dma_semaphore, #tpu.memory_space<semaphore_mem>>
    %dma_wait3A_651 = arith.constant 0 : i32
    %dma_wait3A_652 = tpu.memref_slice %arg4[%add3A_591, %dma_wait3A_651] : memref<204800x64xf32, #tpu.memory_space<hbm>> -> memref<800x64xf32, #tpu.memory_space<hbm>>
    %dma_wait3A_653 = arith.constant 0 : i32
    %dma_wait3A_654 = arith.constant 0 : i32
    %dma_wait3A_655 = tpu.memref_slice %arg6[%dma_wait3A_641, %dma_wait3A_653, %dma_wait3A_654] : memref<2x800x64xf32, #tpu.memory_space<vmem>> -> memref<1x800x64xf32, #tpu.memory_space<vmem>>
    %dma_wait3A_656 = tpu.memref_squeeze %dma_wait3A_655 : memref<1x800x64xf32, #tpu.memory_space<vmem>> -> memref<800x64xf32, #tpu.memory_space<vmem>>
    tpu.wait_dma2 semaphore(%dma_wait3A_650 : memref<!tpu.dma_semaphore, #tpu.memory_space<semaphore_mem>>) src(%dma_wait3A_656 : memref<800x64xf32, #tpu.memory_space<vmem>>) dst(%dma_wait3A_652 : memref<800x64xf32, #tpu.memory_space<hbm>>)
    %dma_wait3A_657 = arith.constant 1 : i32
    %dma_wait3A_658 = arith.constant 1 : i32
    %dma_wait3A_659 = arith.constant 0 : i32
    %dma_wait3A_660 = arith.constant 0 : i32
    %dma_wait3A_661 = tpu.memref_slice %arg6[%dma_wait3A_657, %dma_wait3A_659, %dma_wait3A_660] : memref<2x800x64xf32, #tpu.memory_space<vmem>> -> memref<1x800x64xf32, #tpu.memory_space<vmem>>
    %dma_wait3A_662 = tpu.memref_squeeze %dma_wait3A_661 : memref<1x800x64xf32, #tpu.memory_space<vmem>> -> memref<800x64xf32, #tpu.memory_space<vmem>>
    %dma_wait3A_663 = arith.constant 0 : i32
    %dma_wait3A_664 = tpu.memref_slice %arg4[%add3A_624, %dma_wait3A_663] : memref<204800x64xf32, #tpu.memory_space<hbm>> -> memref<800x64xf32, #tpu.memory_space<hbm>>
    %dma_wait3A_665 = tpu.memref_slice %arg9[%dma_wait3A_658] : memref<2x!tpu.dma_semaphore, #tpu.memory_space<semaphore_mem>> -> memref<1x!tpu.dma_semaphore, #tpu.memory_space<semaphore_mem>>
    %dma_wait3A_666 = tpu.memref_squeeze %dma_wait3A_665 : memref<1x!tpu.dma_semaphore, #tpu.memory_space<semaphore_mem>> -> memref<!tpu.dma_semaphore, #tpu.memory_space<semaphore_mem>>
    %dma_wait3A_667 = arith.constant 0 : i32
    %dma_wait3A_668 = tpu.memref_slice %arg4[%add3A_624, %dma_wait3A_667] : memref<204800x64xf32, #tpu.memory_space<hbm>> -> memref<800x64xf32, #tpu.memory_space<hbm>>
    %dma_wait3A_669 = arith.constant 0 : i32
    %dma_wait3A_670 = arith.constant 0 : i32
    %dma_wait3A_671 = tpu.memref_slice %arg6[%dma_wait3A_657, %dma_wait3A_669, %dma_wait3A_670] : memref<2x800x64xf32, #tpu.memory_space<vmem>> -> memref<1x800x64xf32, #tpu.memory_space<vmem>>
    %dma_wait3A_672 = tpu.memref_squeeze %dma_wait3A_671 : memref<1x800x64xf32, #tpu.memory_space<vmem>> -> memref<800x64xf32, #tpu.memory_space<vmem>>
    tpu.wait_dma2 semaphore(%dma_wait3A_666 : memref<!tpu.dma_semaphore, #tpu.memory_space<semaphore_mem>>) src(%dma_wait3A_672 : memref<800x64xf32, #tpu.memory_space<vmem>>) dst(%dma_wait3A_668 : memref<800x64xf32, #tpu.memory_space<hbm>>)
    return
  }
}

</mosaic_0001>

<sc_bundles>
// kernel: kernel.3.cloned.1.call-start
scs
__scs_entry_jumppad:
0x0: {  	(pc) =	sbr.rel $0x88, $3  }
0x1: {  	(tag) =	ssettag $0x0;
	lr =	simm.s32 $0x1  }
0x2: {  	[smem:$0x3F9F] =	sst lr;
	_ =	strace $0xD0000000  }
0x3: {  	_ = 	snop  }
0x4: {  	_ = 	snop  }
0x5: {  	_ = 	snop  }
0x6: {  	_ = 	snop  }
0x7: {  	_ = 	snop  }
__scs_overlays_trampoline_lowered:
0x8: {  	[smem:$0x3FAE] =	sst s0  }
0x9: {  	[smem:$0x3FAF] =	sst s1  }
0xa: {  	[smem:$0x3FB0] =	sst s2  }
0xb: {  	[smem:$0x3FB1] =	sst s3  }
0xc: {  	[smem:$0x3FB2] =	sst s4  }
0xd: {  	[smem:$0x3FB3] =	sst s5  }
0xe: {  	[smem:$0x3FB4] =	sst s6  }
0xf: {  	[smem:$0x3FB5] =	sst s7  }
0x10: {  	[smem:$0x3FB6] =	sst s8  }
0x11: {  	[smem:$0x3FB7] =	sst s9;
	s0 =	simm.s32 @!p0 $0x0  }
0x12: {  	s1 =	sld [smem:$0x3F9D];
	s0 =	simm.s32 @p0 $0x1  }
0x13: {  	[smem:$0x3FB8] =	sst s0;
	s0 =	simm.s32 @!p1 $0x0  }
0x14: {  	s2 =	sld [smem:$0x3F9C];
	s0 =	simm.s32 @p1 $0x1  }
0x15: {  	[smem:$0x3FB9] =	sst s0;
	s0 =	simm.s32 @!p2 $0x0  }
0x16: {  	s3 =	sld [smem:$0x3FDB];
	s0 =	simm.s32 @p2 $0x1  }
0x17: {  	s4 =	simm.s32 $0x1BF5;
	[smem:$0x3FBB] =	sst s0  }
0x18: {  	s0 =	sld [smem:$0x3F9E];
	_ =	swait.ge [sflag:s4], $0x0  }
0x19: {  	s7 =	sld [smem:$0x3F9F]  }
0x1a: {  	s8 =	sadd.s32 $0xFFFFE003, lr  }
0x1b: {  	s9 =	sadd.s32 $0xFFFFFEF7, lr;
	s5 =	simm.s32 $0xFFFFFFFF;
	p2 =	slt.u32 s8, $0xFFFFF086  }
0x1c: {  	p1 =	slt.u32 s9, $0xF7A;
	s5 =	simm.s32 @!p2 $0x0  }
0x1d: {  	s5 =	simm.s32 @p1 $0x1;
	p0 =	seq.s32 s7, s2  }
0x1e: {  	s7 =	smul.u32 @!p0 $0xF7A, s2;
	p2 =	seq.s32 @!p0 s5, $0x0  }
0x1f: {  	s9 =	smul.u32 $0xF7A, s1;
	s8 =	simm.s32 @!p0 $0x1BF5;
	p2 =	por !p2, p0  }
0x20: {  	[sflag:s8] =	ssyncset.s32 @!p0 $0xFFFFF086;
	s6 =	sadd.s32 @!p0 s3, s7;
	s7 =	simm.s32 @!p0 $0x108  }
0x21: {  	s3 =	sadd.s32 s3, s9;
	s6 =	sadd.s32 @!p0 $0x88, s6;
	s7 =	simm.s32 @p2 $0x1082  }
0x22: {  	[simem:s7], [sflag:s8] =	dma.local @!p0 [hbm:s6], $0xF7A  }
0x23: {  	s9 =	sor.u32 $0xD0000000, s2;
	s6 =	simm.s32 $0x108;
	_ =	swait.ge @!p0 [sflag:s8], $0x0  }
0x24: {  	s3 =	sadd.s32 $0x88, s3;
	s6 =	simm.s32 @!p1 $0x1082;
	[sflag:s4] =	ssyncset.s32 $0xFFFFF086  }
0x25: {  	[simem:s6], [sflag:s4] =	dma.local [hbm:s3], $0xF7A  }
0x26: {  	[smem:$0x3F9F] =	sst s1;
	(tag) =	ssettag s2;
	_ =	strace s9  }
0x27: {  	s1 =	sld [smem:$0x3FAF]  }
0x28: {  	s2 =	sld [smem:$0x3FB0]  }
0x29: {  	s4 =	sld [smem:$0x3FB2]  }
0x2a: {  	p0 =	seq.s32 s5, $0x0;
	s5 =	sld [smem:$0x3FB3]  }
0x2b: {  	s6 =	sld [smem:$0x3FB4]  }
0x2c: {  	s7 =	sld [smem:$0x3FB5]  }
0x2d: {  	s3 =	simm.s32 $0x108;
	s8 =	sld [smem:$0x3FB6]  }
0x2e: {  	s3 =	simm.s32 @!p0 $0x1082;
	s9 =	sld [smem:$0x3FB7]  }
0x2f: {  	lr =	sadd.s32 s0, s3;
	s0 =	sld [smem:$0x3FAE]  }
0x30: {  	s3 =	sld [smem:$0x3FB1]  }
0x31: {  	[smem:$0x3FBA] =	sst s10  }
0x32: {  	s10 =	sld [smem:$0x3FB8];
	_ =	sdelay $0x3  }
0x33: {  	p0 =	seq.s32 s10, $0x1;
	s10 =	sld [smem:$0x3FBA];
	_ =	sdelay $0x3  }
0x34: {  	[smem:$0x3FBA] =	sst s10  }
0x35: {  	s10 =	sld [smem:$0x3FB9];
	_ =	sdelay $0x3  }
0x36: {  	p1 =	seq.s32 s10, $0x1;
	s10 =	sld [smem:$0x3FBA];
	_ =	sdelay $0x3  }
0x37: {  	[smem:$0x3FBA] =	sst s10  }
0x38: {  	s10 =	sld [smem:$0x3FBB]  }
0x39: {  	_ = 	snop;
	(pc) =	sbr.ind lr, $3  }
0x3a: {  	_ = 	snop  }
0x3b: {  	_ = 	snop  }
0x3c: {  	p2 =	seq.s32 s10, $0x1;
	s10 =	sld [smem:$0x3FBA]  }
0x3d: {  	_ =	shalt  }
0x3e: {  	_ =	shalt  }
0x3f: {  	_ =	shalt  }
0x40: {  	_ =	shalt  }
0x41: {  	_ =	shalt  }
0x42: {  	_ =	shalt  }
0x43: {  	_ =	shalt  }
0x44: {  	_ =	shalt  }
0x45: {  	_ =	shalt  }
0x46: {  	_ =	shalt  }
0x47: {  	_ =	shalt  }
0x48: {  	_ =	shalt  }
0x49: {  	_ =	shalt  }
0x4a: {  	_ =	shalt  }
0x4b: {  	_ =	shalt  }
0x4c: {  	_ =	shalt  }
0x4d: {  	_ =	shalt  }
0x4e: {  	_ =	shalt  }
0x4f: {  	_ =	shalt  }
0x50: {  	_ =	shalt  }
0x51: {  	_ =	shalt  }
0x52: {  	_ =	shalt  }
0x53: {  	_ =	shalt  }
0x54: {  	_ =	shalt  }
0x55: {  	_ =	shalt  }
0x56: {  	_ =	shalt  }
0x57: {  	_ =	shalt  }
0x58: {  	_ =	shalt  }
0x59: {  	_ =	shalt  }
0x5a: {  	_ =	shalt  }
0x5b: {  	_ =	shalt  }
0x5c: {  	_ =	shalt  }
0x5d: {  	_ =	shalt  }
0x5e: {  	_ =	shalt  }
0x5f: {  	_ =	shalt  }
0x60: {  	_ =	shalt  }
0x61: {  	_ =	shalt  }
0x62: {  	_ =	shalt  }
0x63: {  	_ =	shalt  }
0x64: {  	_ =	shalt  }
0x65: {  	_ =	shalt  }
0x66: {  	_ =	shalt  }
0x67: {  	_ =	shalt  }
0x68: {  	_ =	shalt  }
0x69: {  	_ =	shalt  }
0x6a: {  	_ =	shalt  }
0x6b: {  	_ =	shalt  }
0x6c: {  	_ =	shalt  }
0x6d: {  	_ =	shalt  }
0x6e: {  	_ =	shalt  }
0x6f: {  	_ =	shalt  }
0x70: {  	_ =	shalt  }
0x71: {  	_ =	shalt  }
0x72: {  	_ =	shalt  }
0x73: {  	_ =	shalt  }
0x74: {  	_ =	shalt  }
0x75: {  	_ =	shalt  }
0x76: {  	_ =	shalt  }
0x77: {  	_ =	shalt  }
0x78: {  	_ =	shalt  }
0x79: {  	_ =	shalt  }
0x7a: {  	_ =	shalt  }
0x7b: {  	_ =	shalt  }
0x7c: {  	_ =	shalt  }
0x7d: {  	_ =	shalt  }
0x7e: {  	_ =	shalt  }
0x7f: {  	_ =	shalt  }
0x80: {  	_ =	shalt  }
0x81: {  	_ =	shalt  }
0x82: {  	_ =	shalt  }
0x83: {  	_ =	shalt  }
0x84: {  	_ =	shalt  }
0x85: {  	_ =	shalt  }
0x86: {  	_ =	shalt  }
0x87: {  	_ =	shalt  }
.Lfunc_end0:
.L_simem_size_0:
called_computation.1_lowered:
.L_overlay_start_0:
0x88: {  	s2 =	sld [smem:$0x3FD9]  }
0x89: {  	s3 =	sld [smem:$0x3FFE];
	_ =	sdelay $0x1  }
0x8a: {  	s1 =	srdreg.scid  }
0x8b: {  	s0 =	sand.u32 $0x1, s1  }
0x8c: {  	s17 =	sshll.u32 s0, $0xA;
	s2 =	sadd.s32 s3, s2  }
0x8d: {  	s2 =	sadd.s32 s2, s17  }
0x8e: {  	[smem:$0x3FC6] =	sst s2  }
0x8f: {  	_ = 	snop  }
0x90: {  	s2 =	sld [smem:$0x3FD0];
	(tm) =	ssettm $0x1  }
0x91: {  	s18 =	sld [smem:$0x3FFB];
	_ =	sdelay $0x3  }
0x92: {  	_ =	strace s18  }
0x93: {  	s3 =	sld [smem:$0x3FFC];
	_ =	sdelay $0x3  }
0x94: {  	_ =	strace s3  }
0x95: {  	s3 =	sld [smem:$0x3FFD];
	_ =	sdelay $0x3  }
0x96: {  	_ =	strace s3  }
0x97: {  	_ =	strace $0x8FFFFFFF  }
0x98: {  	s19 =	sld [smem:$0x3FDB];
	_ =	sdelay $0x1  }
0x99: {  	s4 =	simm.s32 $_scs_section_size  }
0x9a: {  	s5 =	simm.s32 $_size__tile_overlayer_lowered;
	s6 =	simm.s32 $_tile_overlayer_lowered  }
0x9b: {  	s22 =	simm.s32 $0x1BFF;
	s21 =	sshll.u32 s6, $0x1;
	s3 =	sadd.s32 s4, s19  }
0x9c: {  	s7 =	simm.s32 $0x0;
	s20 =	sshll.u32 s5, $0x1;
	s5 =	sadd.s32 s21, s3  }
0x9d: {  	[timem:s7], [sflag:s22] =	dma.local [hbm:s5], s20  }
0x9e: {  	_ =	swait.ge [sflag:s22], s20  }
0x9f: {  	s4 =	ssub.s32 $0x0, s20;
	[sflag:s22] =	ssyncset.done $0x0  }
0xa0: {  	[sflag:s22] =	ssyncadd.s32 s4;
	_ =	sdelay $0x1  }
0xa1: {  	s23 =	simm.s32 $0x1B8B  }
0xa2: {  	_ =	swait.ge [sflag:s23], $0x1  }
0xa3: {  	[sflag:s23] =	ssyncset.done $0x0  }
0xa4: {  	s25 =	simm.s32 $0x1B8E;
	s24 =	sld [smem:$0x3FFE];
	[sflag:s23] =	ssyncadd.s32 $0xFFFFFFFF  }
0xa5: {  	s26 =	simm.s32 $execute0_lowered;
	[smem:$0x3FD2] =	sst s25  }
0xa6: {  	s5 =	sshll.u32 s26, $0x1;
	_ =	strace $0x80000046;
	[dreg:$0x1] =	wrdreg $0xFFFFFFFF  }
0xa7: {  	s28 =	simm.s32 $_size_execute0_lowered;
	s3 =	sadd.s32 s3, s5;
	[dreg:$0x0] =	wrdreg $0x0  }
0xa8: {  	s5 =	sshll.u32 s28, $0x1;
	[dreg:$0x2] =	wrdreg s3  }
0xa9: {  	[dreg:$0x3] =	wrdreg s5  }
0xaa: {  	[dreg:$0x4] =	wrdreg $0xC0  }
0xab: {  	_ =	task [dreg:s7], $0x5FFFF  }
0xac: {  	[dreg:$0x1] =	wrdreg $0xFFFFFFFF  }
0xad: {  	[dreg:$0x0] =	wrdreg $0x60  }
0xae: {  	[dreg:$0x2] =	wrdreg s24  }
0xaf: {  	[dreg:$0x3] =	wrdreg s2  }
0xb0: {  	[dreg:$0x4] =	wrdreg $0x9  }
0xb1: {  	_ =	task.clear_ibuf [dreg:s7], $0x5FFFF;
	_ =	strace $0x90000046  }
0xb2: {  	s29 =	simm.s32 $0x9;
	_ =	strace $0x80000048  }
0xb3: {  	_ =	swait.ge [sflag:s29], $0x1  }
0xb4: {  	[sflag:s29] =	ssyncadd.s32 $0xFFFFFFFF  }
0xb5: {  	_ =	strace $0x90000048  }
0xb6: {  	_ =	sfence  }
0xb7: {  	s30 =	sld [smem:$0x0];
	_ =	sdelay $0x2  }
0xb8: {  	s31 =	sshll.u32 s1, $0xD;
	s1 =	sshrl.u32 s1, $0x2  }
0xb9: {  	s3 =	sand.u32 $0x4000, s31;
	s1 =	sadd.s32 s1, s30  }
0xba: {  	s0 =	sor.u32 s3, s0;
	s1 =	sshll.u32 s1, $0x11  }
0xbb: {  	s0 =	sor.u32 s1, s0  }
0xbc: {  	s0 =	sadd.s32 $0x8F2B, s0  }
0xbd: {  	[sflag:s0] =	ssyncadd.remote.s32 $0x1  }
0xbe: {  	_ =	sfence.sel $0xFFFF  }
0xbf: {  	[dreg:$0x0] =	wrdreg $0xFFFFFFFF;
	(pc) =	sbr.abs _section_cstart, $3  }
0xc0: {  	[dreg:$0x1] =	wrdreg $0xFFFFFFFF  }
0xc1: {  	_ =	task.clear_ibuf [dreg:s7], $0x2FFFF;
	_ =	strace $0x9FFFFFFF  }
0xc2: {  	(tm) =	ssettm $0x7FFFFFFF  }
0xc3: {  	_ =	shalt  }
tec
execute0_lowered:
.L_overlay_start_1:
0x0: {  	(tag) =	ssettag $0x1  }
0x1: {  	s0 =	srdreg.scid;
	s2 =	stileid.u32  }
0x2: {  	s1 =	sand.u32 $0x1, s0;
	s18 =	sshll.u32 s2, $0x1  }
0x3: {  	s20 =	sor.u32 s1, s18  }
0x4: {  	s16 =	rddreg [dreg:$0x0];
	s0 =	smul.u32 $0x1900, s20  }
0x5: {  	s31 =	rddreg [dreg:$0x1];
	s2 =	simm.s32 $0x0;
	s13 =	sadd.s32 $0xA00, s16  }
0x6: {  	[smem:$0x7FF] =	sst s2;
	s3 =	sshrl.u32 s0, $0x3;
	s23 =	sadd.s32 $0x320, s0  }
0x7: {  	_ =	strace $0x80000047;
	s3 =	sadd.s32 s13, s3;
	s4 =	sshrl.u32 s23, $0x3  }
0x8: {  	s25 =	sadd.s32 $0x640, s0;
	[dreg:$0x3] =	wrdreg s3;
	s19 =	sadd.s32 s13, s4  }
0x9: {  	s9 =	simm.s32 $0xC80;
	s21 =	sshrl.u32 s25, $0x3;
	[dreg:$0x4] =	wrdreg s19  }
0xa: {  	s26 =	sadd.s32 $0x960, s0;
	s3 =	sadd.s32 s13, s21;
	s22 =	rddreg [dreg:$0x3]  }
0xb: {  	s28 =	sadd.s32 $0xC80, s0;
	s29 =	sadd.s32 $0xFA0, s0;
	[dreg:$0x5] =	wrdreg s3  }
0xc: {  	[tilespmem:s2], [sflag:$0x1] =	stream.linear.gather [hbm4b:s22+s2], $0x320, $0x38;
	[tilespmem:$0x1A900] =	vst v63  }
0xd: {  	s24 =	sshrl.u32 s26, $0x3;
	s4 =	simm.s32 $0x320;
	s5 =	rddreg [dreg:$0x4]  }
0xe: {  	[tilespmem:s4], [sflag:$0x1] =	stream.linear.gather [hbm4b:s5+s2], $0x320, $0x38;
	[tilespmem:$0x1A900] =	vst v63  }
0xf: {  	s7 =	sshrl.u32 s28, $0x3;
	s6 =	rddreg [dreg:$0x5];
	s22 =	simm.s32 $0x640  }
0x10: {  	[tilespmem:s22], [sflag:$0x1] =	stream.linear.gather [hbm4b:s6+s2], $0x320, $0x38;
	[tilespmem:$0x1A900] =	vst v63  }
0x11: {  	s3 =	sadd.s32 s13, s24;
	s6 =	sadd.s32 s13, s7;
	s7 =	simm.s32 $0x960  }
0x12: {  	[tilespmem:s7], [sflag:$0x1] =	stream.linear.gather [hbm4b:s3+s2], $0x320, $0x38;
	[tilespmem:$0x1A900] =	vst v63  }
0x13: {  	s10 =	simm.s32 $0xFA0;
	s30 =	sadd.s32 $0x12C0, s0;
	s8 =	sshrl.u32 s29, $0x3  }
0x14: {  	[tilespmem:s9], [sflag:$0x1] =	stream.linear.gather [hbm4b:s6+s2], $0x320, $0x38;
	[tilespmem:$0x1A900] =	vst v63  }
0x15: {  	s0 =	sadd.s32 $0x15E0, s0;
	s11 =	sshrl.u32 s30, $0x3;
	s8 =	sadd.s32 s13, s8  }
0x16: {  	[tilespmem:s10], [sflag:$0x1] =	stream.linear.gather [hbm4b:s8+s2], $0x320, $0x38;
	[tilespmem:$0x1A900] =	vst v63  }
0x17: {  	s12 =	simm.s32 $0x12C0;
	s14 =	sshrl.u32 s0, $0x3;
	s11 =	sadd.s32 s13, s11  }
0x18: {  	[tilespmem:s12], [sflag:$0x1] =	stream.linear.gather [hbm4b:s11+s2], $0x320, $0x38;
	[tilespmem:$0x1A900] =	vst v63  }
0x19: {  	s15 =	simm.s32 $0x1;
	s13 =	sadd.s32 s13, s14;
	s14 =	simm.s32 $0x15E0  }
0x1a: {  	[tilespmem:s14], [sflag:$0x1] =	stream.linear.gather [hbm4b:s13+s2], $0x320, $0x38;
	[tilespmem:$0x1A900] =	vst v63  }
0x1b: {  	_ =	swait.ge [sflag:s15], $0x320  }
0x1c: {  	[sflag:s15] =	ssyncset.done $0x0  }
0x1d: {  	[sflag:s15] =	ssyncadd.s32 $0xFFFFFCE0  }
0x1e: {  	_ =	swait.ge [sflag:s15], $0x320  }
0x1f: {  	[sflag:s15] =	ssyncset.done $0x0  }
0x20: {  	[sflag:s15] =	ssyncadd.s32 $0xFFFFFCE0  }
0x21: {  	_ =	swait.ge [sflag:s15], $0x320  }
0x22: {  	[sflag:s15] =	ssyncset.done $0x0  }
0x23: {  	[sflag:s15] =	ssyncadd.s32 $0xFFFFFCE0  }
0x24: {  	_ =	swait.ge [sflag:s15], $0x320  }
0x25: {  	[sflag:s15] =	ssyncset.done $0x0  }
0x26: {  	[sflag:s15] =	ssyncadd.s32 $0xFFFFFCE0  }
0x27: {  	_ =	swait.ge [sflag:s15], $0x320  }
0x28: {  	[sflag:s15] =	ssyncset.done $0x0  }
0x29: {  	[sflag:s15] =	ssyncadd.s32 $0xFFFFFCE0  }
0x2a: {  	_ =	swait.ge [sflag:s15], $0x320  }
0x2b: {  	[sflag:s15] =	ssyncset.done $0x0  }
0x2c: {  	[sflag:s15] =	ssyncadd.s32 $0xFFFFFCE0  }
0x2d: {  	_ =	swait.ge [sflag:s15], $0x320  }
0x2e: {  	[sflag:s15] =	ssyncset.done $0x0  }
0x2f: {  	[sflag:s15] =	ssyncadd.s32 $0xFFFFFCE0  }
0x30: {  	_ =	swait.ge [sflag:s15], $0x320  }
0x31: {  	[sflag:s15] =	ssyncset.done $0x0  }
0x32: {  	s17 =	simm.s32 $0x1900;
	s16 =	sadd.s32 $0xF42E00, s16;
	[sflag:s15] =	ssyncadd.s32 $0xFFFFFCE0  }
0x33: {  	[tilespmem:s17], [sflag:$0x2] =	stream.indirect.gather [hbm4b:s16+s4], $0x40, s2, s4, $0xb8;
	[tilespmem:$0x1A900] =	vst v63  }
0x34: {  	s18 =	simm.s32 $0xE100;
	s19 =	simm.s32 $0x2  }
0x35: {  	[tilespmem:s18], [sflag:$0x3] =	stream.indirect.gather [hbm4b:s16+s4], $0x40, s4, s4, $0xb8;
	[tilespmem:$0x1A900] =	vst v63  }
0x36: {  	s20 =	smul.u32 $0xC800, s20;
	_ =	swait.ge [sflag:s19], $0xC800  }
0x37: {  	[sflag:s19] =	ssyncset.done $0x0  }
0x38: {  	s20 =	sadd.s32 s31, s20;
	s21 =	simm.s32 $0x4;
	[sflag:s19] =	ssyncadd.s32 $0xFFFF3800  }
0x39: {  	[hbm4b:s20+s2] =	stream.linear.scatter [tilespmem:s17], [sflag:$0x4], $0xC800, $0x38;
	[tilespmem:$0x1A900] =	vst v63  }
0x3a: {  	_ =	swait.ge [sflag:s21], $0xC800  }
0x3b: {  	[sflag:s21] =	ssyncset.done $0x0  }
0x3c: {  	[sflag:s21] =	ssyncadd.s32 $0xFFFF3800  }
0x3d: {  	[tilespmem:s17], [sflag:$0x2] =	stream.indirect.gather [hbm4b:s16+s4], $0x40, s22, s4, $0xb8;
	[tilespmem:$0x1A900] =	vst v63  }
0x3e: {  	s22 =	simm.s32 $0x3  }
0x3f: {  	_ =	swait.ge [sflag:s22], $0xC800  }
0x40: {  	s23 =	sshll.u32 s23, $0x3;
	[sflag:s22] =	ssyncset.done $0x0  }
0x41: {  	s23 =	sadd.s32 s31, s23;
	s24 =	simm.s32 $0x5;
	[sflag:s22] =	ssyncadd.s32 $0xFFFF3800  }
0x42: {  	[hbm4b:s23+s2] =	stream.linear.scatter [tilespmem:s18], [sflag:$0x5], $0xC800, $0x38;
	[tilespmem:$0x1A900] =	vst v63  }
0x43: {  	_ =	swait.ge [sflag:s24], $0xC800  }
0x44: {  	[sflag:s24] =	ssyncset.done $0x0  }
0x45: {  	[sflag:s24] =	ssyncadd.s32 $0xFFFF3800  }
0x46: {  	[tilespmem:s18], [sflag:$0x3] =	stream.indirect.gather [hbm4b:s16+s4], $0x40, s7, s4, $0xb8;
	[tilespmem:$0x1A900] =	vst v63  }
0x47: {  	_ =	swait.ge [sflag:s19], $0xC800  }
0x48: {  	s25 =	sshll.u32 s25, $0x3;
	[sflag:s19] =	ssyncset.done $0x0  }
0x49: {  	s25 =	sadd.s32 s31, s25;
	[sflag:s19] =	ssyncadd.s32 $0xFFFF3800  }
0x4a: {  	[hbm4b:s25+s2] =	stream.linear.scatter [tilespmem:s17], [sflag:$0x4], $0xC800, $0x38;
	[tilespmem:$0x1A900] =	vst v63  }
0x4b: {  	_ =	swait.ge [sflag:s21], $0xC800  }
0x4c: {  	[sflag:s21] =	ssyncset.done $0x0  }
0x4d: {  	[sflag:s21] =	ssyncadd.s32 $0xFFFF3800  }
0x4e: {  	[tilespmem:s17], [sflag:$0x2] =	stream.indirect.gather [hbm4b:s16+s4], $0x40, s9, s4, $0xb8;
	[tilespmem:$0x1A900] =	vst v63  }
0x4f: {  	_ =	swait.ge [sflag:s22], $0xC800  }
0x50: {  	s26 =	sshll.u32 s26, $0x3;
	[sflag:s22] =	ssyncset.done $0x0  }
0x51: {  	s26 =	sadd.s32 s31, s26;
	[sflag:s22] =	ssyncadd.s32 $0xFFFF3800  }
0x52: {  	[hbm4b:s26+s2] =	stream.linear.scatter [tilespmem:s18], [sflag:$0x5], $0xC800, $0x38;
	[tilespmem:$0x1A900] =	vst v63  }
0x53: {  	_ =	swait.ge [sflag:s24], $0xC800  }
0x54: {  	[sflag:s24] =	ssyncset.done $0x0  }
0x55: {  	[sflag:s24] =	ssyncadd.s32 $0xFFFF3800  }
0x56: {  	[tilespmem:s18], [sflag:$0x3] =	stream.indirect.gather [hbm4b:s16+s4], $0x40, s10, s4, $0xb8;
	[tilespmem:$0x1A900] =	vst v63  }
0x57: {  	_ =	swait.ge [sflag:s19], $0xC800  }
0x58: {  	s28 =	sshll.u32 s28, $0x3;
	[sflag:s19] =	ssyncset.done $0x0  }
0x59: {  	s28 =	sadd.s32 s31, s28;
	[sflag:s19] =	ssyncadd.s32 $0xFFFF3800  }
0x5a: {  	[hbm4b:s28+s2] =	stream.linear.scatter [tilespmem:s17], [sflag:$0x4], $0xC800, $0x38;
	[tilespmem:$0x1A900] =	vst v63  }
0x5b: {  	_ =	swait.ge [sflag:s21], $0xC800  }
0x5c: {  	[sflag:s21] =	ssyncset.done $0x0  }
0x5d: {  	[sflag:s21] =	ssyncadd.s32 $0xFFFF3800  }
0x5e: {  	[tilespmem:s17], [sflag:$0x2] =	stream.indirect.gather [hbm4b:s16+s4], $0x40, s12, s4, $0xb8;
	[tilespmem:$0x1A900] =	vst v63  }
0x5f: {  	_ =	swait.ge [sflag:s22], $0xC800  }
0x60: {  	s29 =	sshll.u32 s29, $0x3;
	[sflag:s22] =	ssyncset.done $0x0  }
0x61: {  	s29 =	sadd.s32 s31, s29;
	[sflag:s22] =	ssyncadd.s32 $0xFFFF3800  }
0x62: {  	[hbm4b:s29+s2] =	stream.linear.scatter [tilespmem:s18], [sflag:$0x5], $0xC800, $0x38;
	[tilespmem:$0x1A900] =	vst v63  }
0x63: {  	_ =	swait.ge [sflag:s24], $0xC800  }
0x64: {  	[sflag:s24] =	ssyncset.done $0x0  }
0x65: {  	[sflag:s24] =	ssyncadd.s32 $0xFFFF3800  }
0x66: {  	[tilespmem:s18], [sflag:$0x3] =	stream.indirect.gather [hbm4b:s16+s4], $0x40, s14, s4, $0xb8;
	[tilespmem:$0x1A900] =	vst v63  }
0x67: {  	s30 =	sshll.u32 s30, $0x3;
	_ =	swait.ge [sflag:s19], $0xC800  }
0x68: {  	s0 =	sshll.u32 s0, $0x3;
	s5 =	ssub.s32 $0x2, s1;
	[sflag:s19] =	ssyncset.done $0x0  }
0x69: {  	s30 =	sadd.s32 s31, s30;
	s1 =	sshrl.u32 s5, $0x1;
	[sflag:s19] =	ssyncadd.s32 $0xFFFF3800  }
0x6a: {  	[hbm4b:s30+s2] =	stream.linear.scatter [tilespmem:s17], [sflag:$0x4], $0xC800, $0x38;
	[tilespmem:$0x1A900] =	vst v63  }
0x6b: {  	s31 =	sadd.s32 s31, s0;
	s0 =	ssub.s32 s5, s1;
	_ =	swait.ge [sflag:s22], $0xC800  }
0x6c: {  	s0 =	smax.u32 s0, $0x1;
	[sflag:s22] =	ssyncset.done $0x0  }
0x6d: {  	p0 =	sne.s32 s0, $0x1;
	[sflag:s22] =	ssyncadd.s32 $0xFFFF3800  }
0x6e: {  	[hbm4b:s31+s2] =	stream.linear.scatter [tilespmem:s18], [sflag:$0x5], $0xC800, $0x38;
	[tilespmem:$0x1A900] =	vst v63  }
.Ltmp0:
0x6f: {  	_ =	swait.ge [sflag:s21], $0xC800;
	(pc) =	sbr.rel @!p0 .LBB2_3-.Ltmp0, $4  }
0x70: {  	[sflag:s21] =	ssyncset.done $0x0  }
0x71: {  	[sflag:s21] =	ssyncadd.s32 $0xFFFF3800  }
0x72: {  	_ =	swait.ge [sflag:s24], $0xC800  }
0x73: {  	s1 =	sadd.s32 $0xFFFFFFFF, s0;
	[sflag:s24] =	ssyncset.done $0x0  }
0x74: {  	s5 =	smov.u32 s3  }
.LBB2_2:
0x75: {  	s0 =	rddreg [dreg:$0x3];
	[sflag:s24] =	ssyncadd.s32 $0xFFFF3800  }
0x76: {  	[tilespmem:s2], [sflag:$0x1] =	stream.linear.gather [hbm4b:s0+s2], $0x320, $0x38;
	[tilespmem:$0x1A900] =	vst v63  }
0x77: {  	s3 =	rddreg [dreg:$0x4]  }
0x78: {  	[tilespmem:s4], [sflag:$0x1] =	stream.linear.gather [hbm4b:s3+s2], $0x320, $0x38;
	[tilespmem:$0x1A900] =	vst v63  }
0x79: {  	s0 =	rddreg [dreg:$0x5];
	s3 =	simm.s32 $0x640  }
0x7a: {  	[tilespmem:s3], [sflag:$0x1] =	stream.linear.gather [hbm4b:s0+s2], $0x320, $0x38;
	[tilespmem:$0x1A900] =	vst v63  }
0x7b: {  	_ = 	snop  }
0x7c: {  	[tilespmem:s7], [sflag:$0x1] =	stream.linear.gather [hbm4b:s5+s2], $0x320, $0x38;
	[tilespmem:$0x1A900] =	vst v63  }
0x7d: {  	_ = 	snop  }
0x7e: {  	[tilespmem:s9], [sflag:$0x1] =	stream.linear.gather [hbm4b:s6+s2], $0x320, $0x38;
	[tilespmem:$0x1A900] =	vst v63  }
0x7f: {  	_ = 	snop  }
0x80: {  	[tilespmem:s10], [sflag:$0x1] =	stream.linear.gather [hbm4b:s8+s2], $0x320, $0x38;
	[tilespmem:$0x1A900] =	vst v63  }
0x81: {  	_ = 	snop  }
0x82: {  	[tilespmem:s12], [sflag:$0x1] =	stream.linear.gather [hbm4b:s11+s2], $0x320, $0x38;
	[tilespmem:$0x1A900] =	vst v63  }
0x83: {  	_ = 	snop  }
0x84: {  	[tilespmem:s14], [sflag:$0x1] =	stream.linear.gather [hbm4b:s13+s2], $0x320, $0x38;
	[tilespmem:$0x1A900] =	vst v63  }
0x85: {  	_ =	swait.ge [sflag:s15], $0x320  }
0x86: {  	[sflag:s15] =	ssyncset.done $0x0  }
0x87: {  	[sflag:s15] =	ssyncadd.s32 $0xFFFFFCE0  }
0x88: {  	_ =	swait.ge [sflag:s15], $0x320  }
0x89: {  	[sflag:s15] =	ssyncset.done $0x0  }
0x8a: {  	[sflag:s15] =	ssyncadd.s32 $0xFFFFFCE0  }
0x8b: {  	_ =	swait.ge [sflag:s15], $0x320  }
0x8c: {  	[sflag:s15] =	ssyncset.done $0x0  }
0x8d: {  	[sflag:s15] =	ssyncadd.s32 $0xFFFFFCE0  }
0x8e: {  	_ =	swait.ge [sflag:s15], $0x320  }
0x8f: {  	[sflag:s15] =	ssyncset.done $0x0  }
0x90: {  	[sflag:s15] =	ssyncadd.s32 $0xFFFFFCE0  }
0x91: {  	_ =	swait.ge [sflag:s15], $0x320  }
0x92: {  	[sflag:s15] =	ssyncset.done $0x0  }
0x93: {  	[sflag:s15] =	ssyncadd.s32 $0xFFFFFCE0  }
0x94: {  	_ =	swait.ge [sflag:s15], $0x320  }
0x95: {  	[sflag:s15] =	ssyncset.done $0x0  }
0x96: {  	[sflag:s15] =	ssyncadd.s32 $0xFFFFFCE0  }
0x97: {  	_ =	swait.ge [sflag:s15], $0x320  }
0x98: {  	[sflag:s15] =	ssyncset.done $0x0  }
0x99: {  	[sflag:s15] =	ssyncadd.s32 $0xFFFFFCE0  }
0x9a: {  	_ =	swait.ge [sflag:s15], $0x320  }
0x9b: {  	[sflag:s15] =	ssyncset.done $0x0  }
0x9c: {  	[sflag:s15] =	ssyncadd.s32 $0xFFFFFCE0  }
0x9d: {  	[tilespmem:s17], [sflag:$0x2] =	stream.indirect.gather [hbm4b:s16+s4], $0x40, s2, s4, $0xb8;
	[tilespmem:$0x1A900] =	vst v63  }
0x9e: {  	_ = 	snop  }
0x9f: {  	[tilespmem:s18], [sflag:$0x3] =	stream.indirect.gather [hbm4b:s16+s4], $0x40, s4, s4, $0xb8;
	[tilespmem:$0x1A900] =	vst v63  }
0xa0: {  	_ =	swait.ge [sflag:s19], $0xC800  }
0xa1: {  	[sflag:s19] =	ssyncset.done $0x0  }
0xa2: {  	[sflag:s19] =	ssyncadd.s32 $0xFFFF3800  }
0xa3: {  	[hbm4b:s20+s2] =	stream.linear.scatter [tilespmem:s17], [sflag:$0x4], $0xC800, $0x38;
	[tilespmem:$0x1A900] =	vst v63  }
0xa4: {  	_ =	swait.ge [sflag:s21], $0xC800  }
0xa5: {  	[sflag:s21] =	ssyncset.done $0x0  }
0xa6: {  	[sflag:s21] =	ssyncadd.s32 $0xFFFF3800  }
0xa7: {  	[tilespmem:s17], [sflag:$0x2] =	stream.indirect.gather [hbm4b:s16+s4], $0x40, s3, s4, $0xb8;
	[tilespmem:$0x1A900] =	vst v63  }
0xa8: {  	_ =	swait.ge [sflag:s22], $0xC800  }
0xa9: {  	[sflag:s22] =	ssyncset.done $0x0  }
0xaa: {  	[sflag:s22] =	ssyncadd.s32 $0xFFFF3800  }
0xab: {  	[hbm4b:s23+s2] =	stream.linear.scatter [tilespmem:s18], [sflag:$0x5], $0xC800, $0x38;
	[tilespmem:$0x1A900] =	vst v63  }
0xac: {  	_ =	swait.ge [sflag:s24], $0xC800  }
0xad: {  	[sflag:s24] =	ssyncset.done $0x0  }
0xae: {  	[sflag:s24] =	ssyncadd.s32 $0xFFFF3800  }
0xaf: {  	[tilespmem:s18], [sflag:$0x3] =	stream.indirect.gather [hbm4b:s16+s4], $0x40, s7, s4, $0xb8;
	[tilespmem:$0x1A900] =	vst v63  }
0xb0: {  	_ =	swait.ge [sflag:s19], $0xC800  }
0xb1: {  	[sflag:s19] =	ssyncset.done $0x0  }
0xb2: {  	[sflag:s19] =	ssyncadd.s32 $0xFFFF3800  }
0xb3: {  	[hbm4b:s25+s2] =	stream.linear.scatter [tilespmem:s17], [sflag:$0x4], $0xC800, $0x38;
	[tilespmem:$0x1A900] =	vst v63  }
0xb4: {  	_ =	swait.ge [sflag:s21], $0xC800  }
0xb5: {  	[sflag:s21] =	ssyncset.done $0x0  }
0xb6: {  	[sflag:s21] =	ssyncadd.s32 $0xFFFF3800  }
0xb7: {  	[tilespmem:s17], [sflag:$0x2] =	stream.indirect.gather [hbm4b:s16+s4], $0x40, s9, s4, $0xb8;
	[tilespmem:$0x1A900] =	vst v63  }
0xb8: {  	_ =	swait.ge [sflag:s22], $0xC800  }
0xb9: {  	[sflag:s22] =	ssyncset.done $0x0  }
0xba: {  	[sflag:s22] =	ssyncadd.s32 $0xFFFF3800  }
0xbb: {  	[hbm4b:s26+s2] =	stream.linear.scatter [tilespmem:s18], [sflag:$0x5], $0xC800, $0x38;
	[tilespmem:$0x1A900] =	vst v63  }
0xbc: {  	_ =	swait.ge [sflag:s24], $0xC800  }
0xbd: {  	[sflag:s24] =	ssyncset.done $0x0  }
0xbe: {  	[sflag:s24] =	ssyncadd.s32 $0xFFFF3800  }
0xbf: {  	[tilespmem:s18], [sflag:$0x3] =	stream.indirect.gather [hbm4b:s16+s4], $0x40, s10, s4, $0xb8;
	[tilespmem:$0x1A900] =	vst v63  }
0xc0: {  	_ =	swait.ge [sflag:s19], $0xC800  }
0xc1: {  	[sflag:s19] =	ssyncset.done $0x0  }
0xc2: {  	[sflag:s19] =	ssyncadd.s32 $0xFFFF3800  }
0xc3: {  	[hbm4b:s28+s2] =	stream.linear.scatter [tilespmem:s17], [sflag:$0x4], $0xC800, $0x38;
	[tilespmem:$0x1A900] =	vst v63  }
0xc4: {  	_ =	swait.ge [sflag:s21], $0xC800  }
0xc5: {  	[sflag:s21] =	ssyncset.done $0x0  }
0xc6: {  	[sflag:s21] =	ssyncadd.s32 $0xFFFF3800  }
0xc7: {  	[tilespmem:s17], [sflag:$0x2] =	stream.indirect.gather [hbm4b:s16+s4], $0x40, s12, s4, $0xb8;
	[tilespmem:$0x1A900] =	vst v63  }
0xc8: {  	_ =	swait.ge [sflag:s22], $0xC800  }
0xc9: {  	[sflag:s22] =	ssyncset.done $0x0  }
0xca: {  	[sflag:s22] =	ssyncadd.s32 $0xFFFF3800  }
0xcb: {  	[hbm4b:s29+s2] =	stream.linear.scatter [tilespmem:s18], [sflag:$0x5], $0xC800, $0x38;
	[tilespmem:$0x1A900] =	vst v63  }
0xcc: {  	_ =	swait.ge [sflag:s24], $0xC800  }
0xcd: {  	[sflag:s24] =	ssyncset.done $0x0  }
0xce: {  	[sflag:s24] =	ssyncadd.s32 $0xFFFF3800  }
0xcf: {  	[tilespmem:s18], [sflag:$0x3] =	stream.indirect.gather [hbm4b:s16+s4], $0x40, s14, s4, $0xb8;
	[tilespmem:$0x1A900] =	vst v63  }
0xd0: {  	_ =	swait.ge [sflag:s19], $0xC800  }
0xd1: {  	[sflag:s19] =	ssyncset.done $0x0  }
0xd2: {  	[sflag:s19] =	ssyncadd.s32 $0xFFFF3800  }
0xd3: {  	[hbm4b:s30+s2] =	stream.linear.scatter [tilespmem:s17], [sflag:$0x4], $0xC800, $0x38;
	[tilespmem:$0x1A900] =	vst v63  }
0xd4: {  	_ =	swait.ge [sflag:s22], $0xC800  }
0xd5: {  	[sflag:s22] =	ssyncset.done $0x0  }
0xd6: {  	p0 =	sne.s32 s1, $0x1;
	[sflag:s22] =	ssyncadd.s32 $0xFFFF3800  }
0xd7: {  	[hbm4b:s31+s2] =	stream.linear.scatter [tilespmem:s18], [sflag:$0x5], $0xC800, $0x38;
	[tilespmem:$0x1A900] =	vst v63  }
.Ltmp1:
0xd8: {  	_ =	swait.ge [sflag:s21], $0xC800;
	(pc) =	sbr.rel @p0 .LBB2_2-.Ltmp1, $4  }
0xd9: {  	[sflag:s21] =	ssyncset.done $0x0  }
0xda: {  	[sflag:s21] =	ssyncadd.s32 $0xFFFF3800  }
0xdb: {  	_ =	swait.ge [sflag:s24], $0xC800  }
0xdc: {  	s1 =	sadd.s32 $0xFFFFFFFF, s1;
	[sflag:s24] =	ssyncset.done $0x0  }
.LBB2_3:
0xdd: {  	[sflag:s24] =	ssyncadd.s32 $0xFFFF3800  }
0xde: {  	_ =	sfence.sel $0x180000  }
0xdf: {  	[bflag:$0x0] =	sbarrier.arrive $0xFFFF  }
0xe0: {  	_ =	strace $0x90000047  }
0xe1: {  	s0 =	stileid.u32;
	[bflag:$0x2] =	sbarrier.arrive $0xFFFF  }
0xe2: {  	p0 =	sne.s32 s0, $0x0;
	s0 =	rddreg [dreg:$0x2]  }
0xe3: {  	s0 =	sadd.s32 @!p0 $0x100000, s0  }
0xe4: {  	[sflag:s0] =	ssyncadd.tile.s32 @!p0 $0x1;
	_ =	shalt  }
.Lfunc_end2:
_tile_overlayer_lowered:
.L_overlay_start_2:
0xe5: {  	(tag) =	ssettag $0x2  }
0xe6: {  	s0 =	rddreg [dreg:$0x0];
	s2 =	stileid.u32  }
0xe7: {  	s1 =	rddreg [dreg:$0x1];
	p0 =	sne.s32 s2, $0x0  }
0xe8: {  	s3 =	rddreg [dreg:$0x2];
	[bflag:$0x3] =	sbarrier.arrive $0xFFFF;
	s2 =	simm.s32 @!p0 $0x1C06  }
0xe9: {  	[timem:s3], [sflag:s2] =	dma.local @!p0 [hbm:s0], s1  }
0xea: {  	s0 =	simm.s32 @!p0 $0x6  }
0xeb: {  	_ =	swait.ge @!p0 [sflag:s0], s1  }
0xec: {  	s1 =	ssub.s32 @!p0 $0x0, s1;
	[sflag:s0] =	ssyncset.done @!p0 $0x0  }
0xed: {  	[sflag:s0] =	ssyncadd.s32 @!p0 s1  }
0xee: {  	[bflag:$0x3] =	sbarrier.arrive $0xFFFF  }
0xef: {  	_ =	shalt  }

// kernel: sparse-core-data-format-call.cloned.1.call-start
scs
called_computation_lowered:
.L_overlay_start_0:
0x0: {  	s2 =	sld [smem:$0x3FD9]  }
0x1: {  	s3 =	sld [smem:$0x3FFE];
	_ =	sdelay $0x1  }
0x2: {  	s1 =	srdreg.scid  }
0x3: {  	s0 =	sand.u32 $0x1, s1  }
0x4: {  	s18 =	sshll.u32 s0, $0xA;
	s2 =	sadd.s32 s3, s2  }
0x5: {  	s2 =	sadd.s32 s2, s18  }
0x6: {  	[smem:$0x3FC6] =	sst s2  }
0x7: {  	_ = 	snop  }
0x8: {  	s2 =	sld [smem:$0x3FD0];
	(tm) =	ssettm $0x1  }
0x9: {  	s19 =	sld [smem:$0x3FFB];
	_ =	sdelay $0x3  }
0xa: {  	_ =	strace s19  }
0xb: {  	s3 =	sld [smem:$0x3FFC];
	_ =	sdelay $0x3  }
0xc: {  	_ =	strace s3  }
0xd: {  	s3 =	sld [smem:$0x3FFD];
	_ =	sdelay $0x3  }
0xe: {  	_ =	strace s3  }
0xf: {  	_ =	strace $0x8FFFFFFF  }
0x10: {  	s20 =	sld [smem:$0x3FDB];
	_ =	sdelay $0x1  }
0x11: {  	s4 =	simm.s32 $_scs_section_size  }
0x12: {  	s5 =	simm.s32 $_size__tile_overlayer_lowered;
	s6 =	simm.s32 $_tile_overlayer_lowered  }
0x13: {  	s23 =	simm.s32 $0x1BFF;
	s22 =	sshll.u32 s6, $0x1;
	s3 =	sadd.s32 s4, s20  }
0x14: {  	s7 =	simm.s32 $0x0;
	s21 =	sshll.u32 s5, $0x1;
	s5 =	sadd.s32 s22, s3  }
0x15: {  	[timem:s7], [sflag:s23] =	dma.local [hbm:s5], s21  }
0x16: {  	_ =	swait.ge [sflag:s23], s21  }
0x17: {  	s4 =	ssub.s32 $0x0, s21;
	[sflag:s23] =	ssyncset.done $0x0  }
0x18: {  	[sflag:s23] =	ssyncadd.s32 s4;
	_ =	sdelay $0x1  }
0x19: {  	s24 =	simm.s32 $0x1B8B  }
0x1a: {  	_ =	swait.ge [sflag:s24], $0x1  }
0x1b: {  	[sflag:s24] =	ssyncset.done $0x0  }
0x1c: {  	s26 =	simm.s32 $0x1B8E;
	s25 =	sld [smem:$0x3FFE];
	[sflag:s24] =	ssyncadd.s32 $0xFFFFFFFF  }
0x1d: {  	s27 =	simm.s32 $execute0_lowered;
	[smem:$0x3FD2] =	sst s26  }
0x1e: {  	s5 =	sshll.u32 s27, $0x1;
	_ =	strace $0x80000049;
	[dreg:$0x1] =	wrdreg $0xFFFFFFFF  }
0x1f: {  	s28 =	simm.s32 $_size_execute0_lowered;
	s3 =	sadd.s32 s3, s5;
	[dreg:$0x0] =	wrdreg $0x0  }
0x20: {  	s5 =	sshll.u32 s28, $0x1;
	[dreg:$0x2] =	wrdreg s3  }
0x21: {  	[dreg:$0x3] =	wrdreg s5  }
0x22: {  	[dreg:$0x4] =	wrdreg $0xC0  }
0x23: {  	_ =	task [dreg:s7], $0x5FFFF  }
0x24: {  	[dreg:$0x1] =	wrdreg $0xFFFFFFFF  }
0x25: {  	[dreg:$0x0] =	wrdreg $0x60  }
0x26: {  	[dreg:$0x2] =	wrdreg s25  }
0x27: {  	[dreg:$0x3] =	wrdreg s2  }
0x28: {  	[dreg:$0x4] =	wrdreg $0x9  }
0x29: {  	_ =	task.clear_ibuf [dreg:s7], $0x5FFFF;
	_ =	strace $0x90000049  }
0x2a: {  	s29 =	simm.s32 $0x9;
	_ =	strace $0x8000004B  }
0x2b: {  	_ =	swait.ge [sflag:s29], $0x1  }
0x2c: {  	[sflag:s29] =	ssyncadd.s32 $0xFFFFFFFF  }
0x2d: {  	_ =	strace $0x9000004B  }
0x2e: {  	_ =	sfence  }
0x2f: {  	s30 =	sld [smem:$0x0];
	_ =	sdelay $0x2  }
0x30: {  	s31 =	sshll.u32 s1, $0xD;
	s1 =	sshrl.u32 s1, $0x2  }
0x31: {  	s3 =	sand.u32 $0x4000, s31;
	s1 =	sadd.s32 s1, s30  }
0x32: {  	s0 =	sor.u32 s3, s0;
	s1 =	sshll.u32 s1, $0x11  }
0x33: {  	s0 =	sor.u32 s1, s0  }
0x34: {  	s0 =	sadd.s32 $0x8F2B, s0  }
0x35: {  	[sflag:s0] =	ssyncadd.remote.s32 $0x1  }
0x36: {  	_ =	sfence.sel $0xFFFF  }
0x37: {  	[dreg:$0x0] =	wrdreg $0xFFFFFFFF;
	(pc) =	sbr.abs _section_cstart, $3  }
0x38: {  	[dreg:$0x1] =	wrdreg $0xFFFFFFFF  }
0x39: {  	_ =	task.clear_ibuf [dreg:s7], $0x2FFFF;
	_ =	strace $0x9FFFFFFF  }
0x3a: {  	(tm) =	ssettm $0x7FFFFFFF  }
0x3b: {  	_ =	shalt  }
tec
execute0_lowered:
.L_overlay_start_1:
0x0: {  	(tag) =	ssettag $0x1  }
0x1: {  	s0 =	stileid.u32;
	s6 =	rddreg [dreg:$0x0]  }
0x2: {  	s2 =	rddreg [dreg:$0x1];
	s5 =	srdreg.scid  }
0x3: {  	s31 =	simm.s32 $0x2;
	s13 =	simm.s32 $0x0;
	s1 =	sshll.u32 s0, $0x7  }
0x4: {  	s14 =	simm.s32 $0x0;
	s12 =	simm.s32 $0x0;
	s3 =	sand.u32 $0x380, s1  }
0x5: {  	s5 =	sshll.u32 s5, $0x4;
	s6 =	sadd.s32 $0xA00, s6;
	s4 =	ssub.s32 $0x400, s3  }
0x6: {  	s1 =	rddreg [dreg:$0x2];
	_ =	strace $0x8000004A;
	s7 =	sand.u32 $0x380, s4  }
0x7: {  	s5 =	sand.u32 $0x10, s5;
	p0 =	sne.s32 s7, $0x0;
	s7 =	simm.s32 $0x1  }
.Ltmp0:
0x8: {  	s8 =	sshrl.u32 s4, $0xA;
	s7 =	simm.s32 @!p0 $0x0;
	(pc) =	sbr.rel .LBB1_1-.Ltmp0, $4  }
0x9: {  	s9 =	sor.u32 s0, s5;
	s4 =	simm.s32 $0x1;
	s30 =	sadd.s32 s7, s8  }
0xa: {  	s11 =	smov.u32 s3;
	[sflag:s4] =	ssyncpa.u1 $0x0;
	s5 =	smul.u32 $0x32, s30  }
0xb: {  	[sflag:s31] =	ssyncpa.u1 $0x0;
	p0 =	por $0x0, $0x0;
	s7 =	sshrl.u32 s9, $0x3  }
0xc: {  	s9 =	simm.s32 $0x2000;
	s10 =	smov.u32 s7;
	s8 =	sor.u32 $0x1, s5  }
.LBB1_4:
0xd: {  	s17 =	sand.u32 $0x1F80, s14;
	s13 =	sshll.u32 s13, $0xD  }
0xe: {  	[tilespmem:s16+$0x810 ss:$0x81] =	vst.msk $0xffff, v2;
	s18 =	sshrl.u32 s14, $0x3;
	s31 =	sand.u32 $0x7, s14;
	s17 =	sadd.s32 s2, s17  }
0xf: {  	[tilespmem:s16+$0x1020 ss:$0x81] =	vst.msk $0xffff, v0;
	s18 =	sand.u32 $0xF, s18;
	s14 =	sshll.u32 s31, $0x12;
	s13 =	sadd.s32 s13, s17  }
0x10: {  	[tilespmem:s16+$0x0 ss:$0x81] =	vst.msk $0xffff, v1;
	s14 =	sor.u32 $0x400, s14;
	s13 =	sadd.s32 s18, s13  }
0x11: {  	[hbm4b:s13+s14] =	stream.strided.scatter [tilespmem:s15], [sflag:$0x2], $0x2000, s9, s14, $0x20;
	[tilespmem:$0x8080] =	vst v63  }
.LBB1_5:
0x12: {  	s15 =	sadd.s32 $0x4, s10  }
0x13: {  	s13 =	sadd.s32 $0x400, s11;
	s17 =	smov.u32 s11;
	p2 =	sgt.s32 s15, $0xC7  }
0x14: {  	s17 =	smov.u32 @p2 s13  }
0x15: {  	s15 =	smov.u32 @p2 s7;
	p2 =	sgt.s32 s17, $0x3FF  }
0x16: {  	s17 =	smov.u32 @p2 s3;
	p2 =	sne.s32 s12, s8  }
.Ltmp1:
0x17: {  	p1 =	slt.u32 s12, $0x2;
	(pc) =	sbr.rel @!p2 .LBB1_6-.Ltmp1, $4  }
0x18: {  	s16 =	simm.s32 @!p1 $0x2  }
0x19: {  	s14 =	smov.u32 s11;
	p0 =	por !p0, !p0;
	_ =	swait.ge @!p1 [sflag:s16], $0x2000  }
0x1a: {  	s13 =	smov.u32 s10;
	[sflag:s16] =	ssyncset.done @!p1 $0x0;
	s10 =	smov.u32 s15  }
0x1b: {  	s12 =	sadd.s32 $0x1, s12;
	[sflag:s16] =	ssyncadd.s32 @!p1 $0xFFFFE000;
	s11 =	smov.u32 s17  }
.LBB1_1:
0x1c: {  	p1 =	sge.u32 s12, s5  }
0x1d: {  	s15 =	sand.u32 @!p1 $0x1FFFFFF, s10  }
0x1e: {  	s16 =	smulhi.u32 @!p1 $0x147AE15, s15;
	_ =	sdelay $0x1  }
0x1f: {  	s16 =	smul.u32 @!p1 $0xC8, s16  }
0x20: {  	s17 =	sxor.u32 @!p1 $0xFFFFFFFF, s12;
	s18 =	smul.u32 @!p1 $0xC80, s11  }
0x21: {  	s31 =	sadd.s32 $0xFFFFFFFF, s12;
	s17 =	sshll.u32 @!p1 s17, $0xD;
	s15 =	ssub.s32 @!p1 s15, s16  }
0x22: {  	s16 =	sand.u32 @!p1 $0x2000, s17;
	s17 =	sadd.s32 @!p1 s6, s18;
	s15 =	sshll.u32 @!p1 s15, $0x4  }
0x23: {  	s18 =	simm.s32 @!p1 $0x6400;
	s15 =	sadd.s32 @!p1 s15, s17;
	s17 =	simm.s32 @!p1 $0x40  }
0x24: {  	[tilespmem:s16], [sflag:$0x1] =	stream.strided.gather @!p1 [hbm4b:s15+s17], $0x2000, s18, s17, $0x38;
	[tilespmem:$0x8080] =	vst v63  }
0x25: {  	p1 =	sge.u32 s31, s5  }
.Ltmp2:
0x26: {  	_ = 	snop;
	(pc) =	sbr.rel @p1 .LBB1_5-.Ltmp2, $1  }
0x27: {  	_ =	sdelay $0x3  }
0x28: {  	s15 =	simm.s32 $0x1  }
0x29: {  	_ =	swait.ge [sflag:s4], $0x2000;
	s15 =	simm.s32 @!p0 $0x0  }
0x2a: {  	[sflag:s4] =	ssyncset.done $0x0;
	s16 =	sshll.u32 s15, $0xD  }
0x2b: {  	[sflag:s4] =	ssyncadd.s32 $0xFFFFE000;
	s19 =	sor.u32 $0x20, s16  }
0x2c: {  	s15 =	smul.u32 $0x8100, s15;
	v3 =	vld [tilespmem:s19+$0x10]  }
0x2d: {  	s30 =	sand.u32 $0x1, s12;
	v2 =	vld [tilespmem:s19+$0xFFFFFFF0]  }
0x2e: {  	s16 =	smul.u32 $0x8100, s30;
	s15 =	sshrl.u32 s15, $0x2;
	v0 =	vld [tilespmem:s19+$0x0]  }
0x2f: {  	v1 =	vld [tilespmem:s19+$0xFFFFFFE0];
	s17 =	sor.u32 $0x4000, s15  }
0x30: {  	s31 =	sshrl.u32 s16, $0x2;
	s16 =	sadd.s32 $0x0, s17  }
0x31: {  	s18 =	simm.s32 $0x4;
	s19 =	sadd.s32 $0x40, s19;
	s15 =	sor.u32 $0x4000, s31;
	[tilespmem:s16+$0x1830 ss:$0x81] =	vst.msk $0xffff, v3  }
.LBB1_3:
0x32: {  	v3 =	vld [tilespmem:s19+$0x10];
	p1 =	sne.s32 s18, $0x1FC;
	[tilespmem:s16+$0x810 ss:$0x81] =	vst.msk $0xffff, v2;
	s20 =	smov.u32 s18;
	s18 =	sadd.s32 $0x4, s18  }
.Ltmp3:
0x33: {  	v2 =	vld [tilespmem:s19+$0xFFFFFFF0];
	[tilespmem:s16+$0x1020 ss:$0x81] =	vst.msk $0xffff, v0;
	(pc) =	sbr.rel @p1 .LBB1_3-.Ltmp3, $4  }
0x34: {  	v0 =	vld [tilespmem:s19+$0x0];
	[tilespmem:s16+$0x0 ss:$0x81] =	vst.msk $0xffff, v1  }
0x35: {  	s16 =	sshra.s32 s20, $0x2;
	v1 =	vld [tilespmem:s19+$0xFFFFFFE0]  }
0x36: {  	s16 =	sadd.s32 s16, s17  }
0x37: {  	s19 =	sadd.s32 $0x40, s19;
	[tilespmem:s16+$0x1830 ss:$0x81] =	vst.msk $0xffff, v3  }
.Ltmp4:
0x38: {  	_ = 	snop;
	(pc) =	sbr.rel .LBB1_4-.Ltmp4, $1  }
0x39: {  	_ =	sdelay $0x3  }
.LBB1_6:
0x3a: {  	_ =	sfence.sel $0x180000  }
0x3b: {  	s2 =	simm.s32 $0x1;
	[bflag:$0x0] =	sbarrier.arrive $0xFFFF  }
0x3c: {  	s31 =	simm.s32 $0x2;
	[sflag:s2] =	ssyncpa.u1 $0x1  }
0x3d: {  	[sflag:s31] =	ssyncpa.u1 $0x1  }
0x3e: {  	p0 =	sne.s32 s0, $0x0;
	_ =	strace $0x9000004A  }
0x3f: {  	s0 =	sadd.s32 @!p0 $0x100000, s1;
	[bflag:$0x2] =	sbarrier.arrive $0xFFFF  }
0x40: {  	[sflag:s0] =	ssyncadd.tile.s32 @!p0 $0x1;
	_ =	shalt  }
.Lfunc_end1:
_tile_overlayer_lowered:
.L_overlay_start_2:
0x41: {  	(tag) =	ssettag $0x2  }
0x42: {  	s0 =	rddreg [dreg:$0x0];
	s2 =	stileid.u32  }
0x43: {  	s1 =	rddreg [dreg:$0x1];
	p0 =	sne.s32 s2, $0x0  }
0x44: {  	s3 =	rddreg [dreg:$0x2];
	[bflag:$0x3] =	sbarrier.arrive $0xFFFF;
	s2 =	simm.s32 @!p0 $0x1C01  }
0x45: {  	[timem:s3], [sflag:s2] =	dma.local @!p0 [hbm:s0], s1  }
0x46: {  	s0 =	simm.s32 @!p0 $0x1  }
0x47: {  	_ =	swait.ge @!p0 [sflag:s0], s1  }
0x48: {  	s1 =	ssub.s32 @!p0 $0x0, s1;
	[sflag:s0] =	ssyncset.done @!p0 $0x0  }
0x49: {  	[sflag:s0] =	ssyncadd.s32 @!p0 s1  }
0x4a: {  	[bflag:$0x3] =	sbarrier.arrive $0xFFFF  }
0x4b: {  	_ =	shalt  }

</sc_bundles>
